<compile_context>
chip_gen: v7x
topology: tpu7x:2x2x1
jax: 0.10.2.dev20260603
libtpu: 0.0.44.dev20260713+nightly
codegen_flags: <defaults>
</compile_context>

<pallas_src>
import functools

import jax
import jax.numpy as jnp
from jax import lax
from jax.experimental import pallas as pl
from jax.experimental.pallas import tpu as pltpu
from jax.experimental.pallas import tpu_sc as plsc

N_NODES = 10000
N_EDGES = 320000
D = 128

NC = 2
NS = 16
NW = NC * NS
K = 128
CHUNKS = 78
EPW = CHUNKS * K
TAIL_EDGE_BASE = NW * EPW
TAIL_CHUNKS = (N_EDGES - TAIL_EDGE_BASE) // K
HALF0 = 48
HALF1 = CHUNKS - HALF0
ROWS_PER_SUB = 624
TAIL_BASE = NS * ROWS_PER_SUB
TAIL_ROWS = N_NODES - TAIL_BASE

ROW_BLK = 5000


def _prologue_body(feat_ref, cj_ref, w_ref, h_ref):
    h_ref[...] = jnp.dot(
        feat_ref[...] * cj_ref[...], w_ref[...],
        preferred_element_type=jnp.float32)


def _epilogue_body(p_ref, ci_ref, o_ref):
    o_ref[...] = (p_ref[0] + p_ref[1]) * ci_ref[...]


def _sc_agg_body(h_hbm, ei_hbm, out_hbm,
                 src_v, dst_v, rows0, rows1, acc_sh, sem0, sem1):
    cid = lax.axis_index("c")
    sid = lax.axis_index("s")
    wid = cid * NS + sid

    @pl.loop(0, 120)
    def _(r):
        @pl.loop(0, D // 16)
        def _(l):
            rows0[r, pl.ds(l * 16, 16)] = jnp.zeros((16,), jnp.float32)

    zbase = sid * ROWS_PER_SUB
    for t in range(5):
        pltpu.sync_copy(rows0.at[pl.ds(0, 120)],
                        acc_sh.at[pl.ds(zbase + t * 120, 120)])
    pltpu.sync_copy(rows0.at[pl.ds(0, 24)],
                    acc_sh.at[pl.ds(zbase + 600, 24)])

    @pl.when(sid == NS - 1)
    def _():
        pltpu.sync_copy(rows0.at[pl.ds(0, TAIL_ROWS)],
                        acc_sh.at[pl.ds(TAIL_BASE, TAIL_ROWS)])

    plsc.subcore_barrier()

    for nch, estart in ((HALF0, 0), (HALF1, HALF0 * K)):
        base = wid * EPW + estart
        pltpu.sync_copy(ei_hbm.at[0].at[pl.ds(base, nch * K)],
                        src_v.at[pl.ds(0, nch * K)])
        pltpu.sync_copy(ei_hbm.at[1].at[pl.ds(base, nch * K)],
                        dst_v.at[pl.ds(0, nch * K)])

        pltpu.async_copy(h_hbm.at[src_v.at[pl.ds(0, K)]], rows0, sem0)
        pltpu.async_copy(h_hbm.at[src_v.at[pl.ds(K, K)]], rows1, sem1)

        @pl.loop(0, nch, step=2)
        def _(c):
            pltpu.make_async_copy(
                h_hbm.at[src_v.at[pl.ds(c * K, K)]], rows0, sem0).wait()
            pltpu.sync_copy(rows0, acc_sh.at[dst_v.at[pl.ds(c * K, K)]],
                            add=True)

            @pl.when(c + 2 < nch)
            def _():
                pltpu.async_copy(
                    h_hbm.at[src_v.at[pl.ds((c + 2) * K, K)]], rows0, sem0)

            pltpu.make_async_copy(
                h_hbm.at[src_v.at[pl.ds((c + 1) * K, K)]], rows1,
                sem1).wait()
            pltpu.sync_copy(rows1, acc_sh.at[dst_v.at[pl.ds((c + 1) * K, K)]],
                            add=True)

            @pl.when(c + 3 < nch)
            def _():
                pltpu.async_copy(
                    h_hbm.at[src_v.at[pl.ds((c + 3) * K, K)]], rows1, sem1)

    @pl.when(sid < TAIL_CHUNKS // NC)
    def _():
        tbase = TAIL_EDGE_BASE + (cid * (TAIL_CHUNKS // NC) + sid) * K
        pltpu.sync_copy(ei_hbm.at[0].at[pl.ds(tbase, K)],
                        src_v.at[pl.ds(0, K)])
        pltpu.sync_copy(ei_hbm.at[1].at[pl.ds(tbase, K)],
                        dst_v.at[pl.ds(0, K)])
        pltpu.async_copy(h_hbm.at[src_v.at[pl.ds(0, K)]], rows0, sem0).wait()
        pltpu.sync_copy(rows0, acc_sh.at[dst_v.at[pl.ds(0, K)]], add=True)

    plsc.subcore_barrier()

    pltpu.sync_copy(acc_sh.at[pl.ds(zbase, ROWS_PER_SUB)],
                    out_hbm.at[cid].at[pl.ds(zbase, ROWS_PER_SUB)])

    @pl.when(sid == NS - 1)
    def _():
        pltpu.sync_copy(acc_sh.at[pl.ds(TAIL_BASE, TAIL_ROWS)],
                        out_hbm.at[cid].at[pl.ds(TAIL_BASE, TAIL_ROWS)])


@jax.jit
def kernel(feat, edge_index, cj, ci, W):
    ei = edge_index if edge_index.dtype == jnp.int32 else edge_index.astype(
        jnp.int32)

    h = pl.pallas_call(
        _prologue_body,
        grid=(N_NODES // ROW_BLK,),
        in_specs=[
            pl.BlockSpec((ROW_BLK, D), lambda i: (i, 0)),
            pl.BlockSpec((ROW_BLK, 1), lambda i: (i, 0)),
            pl.BlockSpec((D, D), lambda i: (0, 0)),
        ],
        out_specs=pl.BlockSpec((ROW_BLK, D), lambda i: (i, 0)),
        out_shape=jax.ShapeDtypeStruct((N_NODES, D), jnp.float32),
    )(feat, cj, W)

    sc_agg = pl.kernel(
        _sc_agg_body,
        out_type=jax.ShapeDtypeStruct((NC, N_NODES, D), jnp.float32),
        mesh=plsc.VectorSubcoreMesh(core_axis_name="c", subcore_axis_name="s"),
        scratch_types=[
            pltpu.VMEM((HALF0 * K,), jnp.int32),
            pltpu.VMEM((HALF0 * K,), jnp.int32),
            pltpu.VMEM((K, D), jnp.float32),
            pltpu.VMEM((K, D), jnp.float32),
            pltpu.VMEM_SHARED((N_NODES, D), jnp.float32),
            pltpu.SemaphoreType.DMA,
            pltpu.SemaphoreType.DMA,
        ],
    )
    partials = sc_agg(h, ei)

    rst = pl.pallas_call(
        _epilogue_body,
        grid=(N_NODES // ROW_BLK,),
        in_specs=[
            pl.BlockSpec((NC, ROW_BLK, D), lambda i: (0, i, 0)),
            pl.BlockSpec((ROW_BLK, 1), lambda i: (i, 0)),
        ],
        out_specs=pl.BlockSpec((ROW_BLK, D), lambda i: (i, 0)),
        out_shape=jax.ShapeDtypeStruct((N_NODES, D), jnp.float32),
    )(partials, ci)
    return rst

# --- scband reference (transcript-rebuilt; emitter-appended) ---
"""Pipeline reference for scband-gcmcgraph-conv-1975684956870 (READ-ONLY COPY).

The authoritative reference and input builder live on the scoring server;
editing this copy changes nothing except your own understanding.
"""

import jax, jax.numpy as jnp
import numpy as np

N_NODES = 10000
N_EDGES = 320000
D_IN = 128
D_OUT = 128


def setup_inputs(seed: int = 0) -> dict:
    key = jax.random.key(seed)
    k1, k2, k3, k4, k5 = jax.random.split(key, 5)
    feat = jax.random.normal(k1, (N_NODES, D_IN), dtype=jnp.float32)
    edge_index = jax.random.randint(k2, (2, N_EDGES), 0, N_NODES)
    # normalizer constants stored as node data 'cj' (src) and 'ci' (dst)
    cj = jax.random.uniform(k3, (N_NODES, 1), dtype=jnp.float32)
    ci = jax.random.uniform(k4, (N_NODES, 1), dtype=jnp.float32)
    # xavier_uniform init for self.weight
    limit = float(np.sqrt(6.0 / (D_IN + D_OUT)))
    W = jax.random.uniform(k5, (D_IN, D_OUT), dtype=jnp.float32, minval=-limit, maxval=limit)
    return {"feat": feat, "edge_index": edge_index, "cj": cj, "ci": ci, "W": W}


def reference(feat, edge_index, cj, ci, W):
    # dot_or_identity: feat is 2D dense -> feat @ W
    h = feat @ W
    # dropout_rate=0.0 -> dropout is identity; feat = feat * dropout(cj)
    h = h * cj
    # message passing: copy_u then sum over incoming edges (scatter-add by dst)
    src = edge_index[0]
    dst = edge_index[1]
    msgs = h[src]  # gather
    rst = jax.ops.segment_sum(msgs, dst, num_segments=N_NODES)  # scatter-add
    rst = rst * ci
    return rst

if __name__ == "__main__":
    import jax
    _d = setup_inputs()
    print(jax.jit(kernel)(*tuple(_d.values())))

</pallas_src>

<mosaic_0001>
#map = affine_map<(d0, d1) -> (0, 0)>
#map1 = affine_map<(d0, d1) -> (0, 0, 0)>
module attributes {stable_mosaic.version = 14 : i64} {
  func.func @_sc_agg_body(%arg0: i32, %arg1: i32, %arg2: memref<10000x128xf32, #tpu.memory_space<hbm>>, %arg3: memref<2x320000xi32, #tpu.memory_space<hbm>>, %arg4: memref<2x10000x128xf32, #tpu.memory_space<hbm>>, %arg5: memref<6144xi32, #tpu.memory_space<vmem>>, %arg6: memref<6144xi32, #tpu.memory_space<vmem>>, %arg7: memref<128x128xf32, #tpu.memory_space<vmem>>, %arg8: memref<128x128xf32, #tpu.memory_space<vmem>>, %arg9: memref<10000x128xf32, #tpu.memory_space<vmem_shared>>, %arg10: memref<!tpu.dma_semaphore, #tpu.memory_space<semaphore_mem>>, %arg11: memref<!tpu.dma_semaphore, #tpu.memory_space<semaphore_mem>>) attributes {dimension_semantics = [#tpu.dimension_semantics<core_parallel>, #tpu.dimension_semantics<subcore_parallel>], iteration_bounds = array<i64: 2, 16>, scalar_prefetch = 0 : i64, scratch_operands = 7 : i64, tpu.core_type = #tpu.core_type<sc_vector_subcore>, window_params = [{transform_indices = #map}, {transform_indices = #map}, {transform_indices = #map1}]} {
    %mul3A = arith.constant 16 : i32
    %mul3A_0 = arith.muli %arg0, %mul3A : i32
    %add3A = arith.addi %mul3A_0, %arg1 : i32
    %scan3A = arith.constant 0 : i32
    %scan3A_1 = arith.constant 120 : i32
    %scan3A_2 = arith.addi %scan3A, %scan3A_1 : i32
    %scan3A_3 = arith.constant 1 : i32
    scf.for %scan3A_71 = %scan3A to %scan3A_2 step %scan3A_3  : i32 {
      %mul3A_72 = arith.constant 1 : i32
      %mul3A_73 = arith.muli %scan3A_71, %mul3A_72 : i32
      %add3A_74 = arith.constant 0 : i32
      %add3A_75 = arith.addi %add3A_74, %mul3A_73 : i32
      %scan3A_76 = arith.constant 0 : i32
      %scan3A_77 = arith.constant 8 : i32
      %scan3A_78 = arith.addi %scan3A_76, %scan3A_77 : i32
      %scan3A_79 = arith.constant 1 : i32
      scf.for %scan3A_81 = %scan3A_76 to %scan3A_78 step %scan3A_79  : i32 {
        %mul3A_82 = arith.constant 1 : i32
        %mul3A_83 = arith.muli %scan3A_81, %mul3A_82 : i32
        %add3A_84 = arith.constant 0 : i32
        %add3A_85 = arith.addi %add3A_84, %mul3A_83 : i32
        %broadcast_in_dim3A = arith.constant 0.000000e+00 : f32
        %broadcast_in_dim3A_86 = vector.broadcast %broadcast_in_dim3A : f32 to vector<16xf32>
        %mul3A_87 = arith.constant 16 : i32
        %mul3A_88 = arith.muli %add3A_85, %mul3A_87 : i32
        %swap3A = arith.index_cast %add3A_75 : i32 to index
        %swap3A_89 = arith.index_cast %mul3A_88 : i32 to index
        %swap3A_90 = tpu.vector_load %arg7[%swap3A, %swap3A_89] {strides = array<i32>} : memref<128x128xf32, #tpu.memory_space<vmem>>, vector<1x16xf32>,
        %swap3A_91 = vector.shape_cast %swap3A_90 : vector<1x16xf32> to vector<16xf32>
        %swap3A_92 = vector.shape_cast %broadcast_in_dim3A_86 : vector<16xf32> to vector<1x16xf32>
        tpu.vector_store %arg7[%swap3A, %swap3A_89], %swap3A_92 {strides = array<i32>} : memref<128x128xf32, #tpu.memory_space<vmem>>, vector<1x16xf32>,
      }
      %scan3A_80 = arith.constant 8 : i32
    }
    %scan3A_4 = arith.constant 120 : i32
    %mul3A_5 = arith.constant 624 : i32
    %mul3A_6 = arith.muli %arg1, %mul3A_5 : i32
    %add3A_7 = arith.constant 0 : i32
    %add3A_8 = arith.addi %mul3A_6, %add3A_7 : i32
    "tpu.region"() ({
      %run_scoped3A_71 = tpu.sem_alloc : memref<!tpu.dma_semaphore, #tpu.memory_space<semaphore_mem>>
      %dma_start3A_72 = arith.constant 0 : i32
      %dma_start3A_73 = arith.constant 0 : i32
      %dma_start3A_74 = tpu.memref_slice %arg7[%dma_start3A_72, %dma_start3A_73] : memref<128x128xf32, #tpu.memory_space<vmem>> -> memref<120x128xf32, #tpu.memory_space<vmem>>
      %dma_start3A_75 = arith.constant 0 : i32
      %dma_start3A_76 = tpu.memref_slice %arg9[%add3A_8, %dma_start3A_75] : memref<10000x128xf32, #tpu.memory_space<vmem_shared>> -> memref<120x128xf32, #tpu.memory_space<vmem_shared>>
      %dma_start3A_77 = arith.constant 0 : i32
      %dma_start3A_78 = tpu.memref_slice %arg9[%add3A_8, %dma_start3A_77] : memref<10000x128xf32, #tpu.memory_space<vmem_shared>> -> memref<120x128xf32, #tpu.memory_space<vmem_shared>>
      %dma_start3A_79 = arith.constant 0 : i32
      %dma_start3A_80 = arith.constant 0 : i32
      %dma_start3A_81 = tpu.memref_slice %arg7[%dma_start3A_79, %dma_start3A_80] : memref<128x128xf32, #tpu.memory_space<vmem>> -> memref<120x128xf32, #tpu.memory_space<vmem>>
      tpu.enqueue_dma source(%dma_start3A_81 : memref<120x128xf32, #tpu.memory_space<vmem>>) target(%dma_start3A_78 : memref<120x128xf32, #tpu.memory_space<vmem_shared>>) target_semaphore(%run_scoped3A_71 : memref<!tpu.dma_semaphore, #tpu.memory_space<semaphore_mem>>)
      %dma_wait3A = arith.constant 0 : i32
      %dma_wait3A_82 = arith.constant 0 : i32
      %dma_wait3A_83 = tpu.memref_slice %arg7[%dma_wait3A, %dma_wait3A_82] : memref<128x128xf32, #tpu.memory_space<vmem>> -> memref<120x128xf32, #tpu.memory_space<vmem>>
      %dma_wait3A_84 = arith.constant 0 : i32
      %dma_wait3A_85 = tpu.memref_slice %arg9[%add3A_8, %dma_wait3A_84] : memref<10000x128xf32, #tpu.memory_space<vmem_shared>> -> memref<120x128xf32, #tpu.memory_space<vmem_shared>>
      %dma_wait3A_86 = arith.constant 0 : i32
      %dma_wait3A_87 = tpu.memref_slice %arg9[%add3A_8, %dma_wait3A_86] : memref<10000x128xf32, #tpu.memory_space<vmem_shared>> -> memref<120x128xf32, #tpu.memory_space<vmem_shared>>
      %dma_wait3A_88 = arith.constant 0 : i32
      %dma_wait3A_89 = arith.constant 0 : i32
      %dma_wait3A_90 = tpu.memref_slice %arg7[%dma_wait3A_88, %dma_wait3A_89] : memref<128x128xf32, #tpu.memory_space<vmem>> -> memref<120x128xf32, #tpu.memory_space<vmem>>
      tpu.wait_dma2 semaphore(%run_scoped3A_71 : memref<!tpu.dma_semaphore, #tpu.memory_space<semaphore_mem>>) src(%dma_wait3A_90 : memref<120x128xf32, #tpu.memory_space<vmem>>) dst(%dma_wait3A_87 : memref<120x128xf32, #tpu.memory_space<vmem_shared>>)
      tpu.yield
    }) : () -> ()
    %add3A_9 = arith.constant 120 : i32
    %add3A_10 = arith.addi %mul3A_6, %add3A_9 : i32
    "tpu.region"() ({
      %run_scoped3A_71 = tpu.sem_alloc : memref<!tpu.dma_semaphore, #tpu.memory_space<semaphore_mem>>
      %dma_start3A_72 = arith.constant 0 : i32
      %dma_start3A_73 = arith.constant 0 : i32
      %dma_start3A_74 = tpu.memref_slice %arg7[%dma_start3A_72, %dma_start3A_73] : memref<128x128xf32, #tpu.memory_space<vmem>> -> memref<120x128xf32, #tpu.memory_space<vmem>>
      %dma_start3A_75 = arith.constant 0 : i32
      %dma_start3A_76 = tpu.memref_slice %arg9[%add3A_10, %dma_start3A_75] : memref<10000x128xf32, #tpu.memory_space<vmem_shared>> -> memref<120x128xf32, #tpu.memory_space<vmem_shared>>
      %dma_start3A_77 = arith.constant 0 : i32
      %dma_start3A_78 = tpu.memref_slice %arg9[%add3A_10, %dma_start3A_77] : memref<10000x128xf32, #tpu.memory_space<vmem_shared>> -> memref<120x128xf32, #tpu.memory_space<vmem_shared>>
      %dma_start3A_79 = arith.constant 0 : i32
      %dma_start3A_80 = arith.constant 0 : i32
      %dma_start3A_81 = tpu.memref_slice %arg7[%dma_start3A_79, %dma_start3A_80] : memref<128x128xf32, #tpu.memory_space<vmem>> -> memref<120x128xf32, #tpu.memory_space<vmem>>
      tpu.enqueue_dma source(%dma_start3A_81 : memref<120x128xf32, #tpu.memory_space<vmem>>) target(%dma_start3A_78 : memref<120x128xf32, #tpu.memory_space<vmem_shared>>) target_semaphore(%run_scoped3A_71 : memref<!tpu.dma_semaphore, #tpu.memory_space<semaphore_mem>>)
      %dma_wait3A = arith.constant 0 : i32
      %dma_wait3A_82 = arith.constant 0 : i32
      %dma_wait3A_83 = tpu.memref_slice %arg7[%dma_wait3A, %dma_wait3A_82] : memref<128x128xf32, #tpu.memory_space<vmem>> -> memref<120x128xf32, #tpu.memory_space<vmem>>
      %dma_wait3A_84 = arith.constant 0 : i32
      %dma_wait3A_85 = tpu.memref_slice %arg9[%add3A_10, %dma_wait3A_84] : memref<10000x128xf32, #tpu.memory_space<vmem_shared>> -> memref<120x128xf32, #tpu.memory_space<vmem_shared>>
      %dma_wait3A_86 = arith.constant 0 : i32
      %dma_wait3A_87 = tpu.memref_slice %arg9[%add3A_10, %dma_wait3A_86] : memref<10000x128xf32, #tpu.memory_space<vmem_shared>> -> memref<120x128xf32, #tpu.memory_space<vmem_shared>>
      %dma_wait3A_88 = arith.constant 0 : i32
      %dma_wait3A_89 = arith.constant 0 : i32
      %dma_wait3A_90 = tpu.memref_slice %arg7[%dma_wait3A_88, %dma_wait3A_89] : memref<128x128xf32, #tpu.memory_space<vmem>> -> memref<120x128xf32, #tpu.memory_space<vmem>>
      tpu.wait_dma2 semaphore(%run_scoped3A_71 : memref<!tpu.dma_semaphore, #tpu.memory_space<semaphore_mem>>) src(%dma_wait3A_90 : memref<120x128xf32, #tpu.memory_space<vmem>>) dst(%dma_wait3A_87 : memref<120x128xf32, #tpu.memory_space<vmem_shared>>)
      tpu.yield
    }) : () -> ()
    %add3A_11 = arith.constant 240 : i32
    %add3A_12 = arith.addi %mul3A_6, %add3A_11 : i32
    "tpu.region"() ({
      %run_scoped3A_71 = tpu.sem_alloc : memref<!tpu.dma_semaphore, #tpu.memory_space<semaphore_mem>>
      %dma_start3A_72 = arith.constant 0 : i32
      %dma_start3A_73 = arith.constant 0 : i32
      %dma_start3A_74 = tpu.memref_slice %arg7[%dma_start3A_72, %dma_start3A_73] : memref<128x128xf32, #tpu.memory_space<vmem>> -> memref<120x128xf32, #tpu.memory_space<vmem>>
      %dma_start3A_75 = arith.constant 0 : i32
      %dma_start3A_76 = tpu.memref_slice %arg9[%add3A_12, %dma_start3A_75] : memref<10000x128xf32, #tpu.memory_space<vmem_shared>> -> memref<120x128xf32, #tpu.memory_space<vmem_shared>>
      %dma_start3A_77 = arith.constant 0 : i32
      %dma_start3A_78 = tpu.memref_slice %arg9[%add3A_12, %dma_start3A_77] : memref<10000x128xf32, #tpu.memory_space<vmem_shared>> -> memref<120x128xf32, #tpu.memory_space<vmem_shared>>
      %dma_start3A_79 = arith.constant 0 : i32
      %dma_start3A_80 = arith.constant 0 : i32
      %dma_start3A_81 = tpu.memref_slice %arg7[%dma_start3A_79, %dma_start3A_80] : memref<128x128xf32, #tpu.memory_space<vmem>> -> memref<120x128xf32, #tpu.memory_space<vmem>>
      tpu.enqueue_dma source(%dma_start3A_81 : memref<120x128xf32, #tpu.memory_space<vmem>>) target(%dma_start3A_78 : memref<120x128xf32, #tpu.memory_space<vmem_shared>>) target_semaphore(%run_scoped3A_71 : memref<!tpu.dma_semaphore, #tpu.memory_space<semaphore_mem>>)
      %dma_wait3A = arith.constant 0 : i32
      %dma_wait3A_82 = arith.constant 0 : i32
      %dma_wait3A_83 = tpu.memref_slice %arg7[%dma_wait3A, %dma_wait3A_82] : memref<128x128xf32, #tpu.memory_space<vmem>> -> memref<120x128xf32, #tpu.memory_space<vmem>>
      %dma_wait3A_84 = arith.constant 0 : i32
      %dma_wait3A_85 = tpu.memref_slice %arg9[%add3A_12, %dma_wait3A_84] : memref<10000x128xf32, #tpu.memory_space<vmem_shared>> -> memref<120x128xf32, #tpu.memory_space<vmem_shared>>
      %dma_wait3A_86 = arith.constant 0 : i32
      %dma_wait3A_87 = tpu.memref_slice %arg9[%add3A_12, %dma_wait3A_86] : memref<10000x128xf32, #tpu.memory_space<vmem_shared>> -> memref<120x128xf32, #tpu.memory_space<vmem_shared>>
      %dma_wait3A_88 = arith.constant 0 : i32
      %dma_wait3A_89 = arith.constant 0 : i32
      %dma_wait3A_90 = tpu.memref_slice %arg7[%dma_wait3A_88, %dma_wait3A_89] : memref<128x128xf32, #tpu.memory_space<vmem>> -> memref<120x128xf32, #tpu.memory_space<vmem>>
      tpu.wait_dma2 semaphore(%run_scoped3A_71 : memref<!tpu.dma_semaphore, #tpu.memory_space<semaphore_mem>>) src(%dma_wait3A_90 : memref<120x128xf32, #tpu.memory_space<vmem>>) dst(%dma_wait3A_87 : memref<120x128xf32, #tpu.memory_space<vmem_shared>>)
      tpu.yield
    }) : () -> ()
    %add3A_13 = arith.constant 360 : i32
    %add3A_14 = arith.addi %mul3A_6, %add3A_13 : i32
    "tpu.region"() ({
      %run_scoped3A_71 = tpu.sem_alloc : memref<!tpu.dma_semaphore, #tpu.memory_space<semaphore_mem>>
      %dma_start3A_72 = arith.constant 0 : i32
      %dma_start3A_73 = arith.constant 0 : i32
      %dma_start3A_74 = tpu.memref_slice %arg7[%dma_start3A_72, %dma_start3A_73] : memref<128x128xf32, #tpu.memory_space<vmem>> -> memref<120x128xf32, #tpu.memory_space<vmem>>
      %dma_start3A_75 = arith.constant 0 : i32
      %dma_start3A_76 = tpu.memref_slice %arg9[%add3A_14, %dma_start3A_75] : memref<10000x128xf32, #tpu.memory_space<vmem_shared>> -> memref<120x128xf32, #tpu.memory_space<vmem_shared>>
      %dma_start3A_77 = arith.constant 0 : i32
      %dma_start3A_78 = tpu.memref_slice %arg9[%add3A_14, %dma_start3A_77] : memref<10000x128xf32, #tpu.memory_space<vmem_shared>> -> memref<120x128xf32, #tpu.memory_space<vmem_shared>>
      %dma_start3A_79 = arith.constant 0 : i32
      %dma_start3A_80 = arith.constant 0 : i32
      %dma_start3A_81 = tpu.memref_slice %arg7[%dma_start3A_79, %dma_start3A_80] : memref<128x128xf32, #tpu.memory_space<vmem>> -> memref<120x128xf32, #tpu.memory_space<vmem>>
      tpu.enqueue_dma source(%dma_start3A_81 : memref<120x128xf32, #tpu.memory_space<vmem>>) target(%dma_start3A_78 : memref<120x128xf32, #tpu.memory_space<vmem_shared>>) target_semaphore(%run_scoped3A_71 : memref<!tpu.dma_semaphore, #tpu.memory_space<semaphore_mem>>)
      %dma_wait3A = arith.constant 0 : i32
      %dma_wait3A_82 = arith.constant 0 : i32
      %dma_wait3A_83 = tpu.memref_slice %arg7[%dma_wait3A, %dma_wait3A_82] : memref<128x128xf32, #tpu.memory_space<vmem>> -> memref<120x128xf32, #tpu.memory_space<vmem>>
      %dma_wait3A_84 = arith.constant 0 : i32
      %dma_wait3A_85 = tpu.memref_slice %arg9[%add3A_14, %dma_wait3A_84] : memref<10000x128xf32, #tpu.memory_space<vmem_shared>> -> memref<120x128xf32, #tpu.memory_space<vmem_shared>>
      %dma_wait3A_86 = arith.constant 0 : i32
      %dma_wait3A_87 = tpu.memref_slice %arg9[%add3A_14, %dma_wait3A_86] : memref<10000x128xf32, #tpu.memory_space<vmem_shared>> -> memref<120x128xf32, #tpu.memory_space<vmem_shared>>
      %dma_wait3A_88 = arith.constant 0 : i32
      %dma_wait3A_89 = arith.constant 0 : i32
      %dma_wait3A_90 = tpu.memref_slice %arg7[%dma_wait3A_88, %dma_wait3A_89] : memref<128x128xf32, #tpu.memory_space<vmem>> -> memref<120x128xf32, #tpu.memory_space<vmem>>
      tpu.wait_dma2 semaphore(%run_scoped3A_71 : memref<!tpu.dma_semaphore, #tpu.memory_space<semaphore_mem>>) src(%dma_wait3A_90 : memref<120x128xf32, #tpu.memory_space<vmem>>) dst(%dma_wait3A_87 : memref<120x128xf32, #tpu.memory_space<vmem_shared>>)
      tpu.yield
    }) : () -> ()
    %add3A_15 = arith.constant 480 : i32
    %add3A_16 = arith.addi %mul3A_6, %add3A_15 : i32
    "tpu.region"() ({
      %run_scoped3A_71 = tpu.sem_alloc : memref<!tpu.dma_semaphore, #tpu.memory_space<semaphore_mem>>
      %dma_start3A_72 = arith.constant 0 : i32
      %dma_start3A_73 = arith.constant 0 : i32
      %dma_start3A_74 = tpu.memref_slice %arg7[%dma_start3A_72, %dma_start3A_73] : memref<128x128xf32, #tpu.memory_space<vmem>> -> memref<120x128xf32, #tpu.memory_space<vmem>>
      %dma_start3A_75 = arith.constant 0 : i32
      %dma_start3A_76 = tpu.memref_slice %arg9[%add3A_16, %dma_start3A_75] : memref<10000x128xf32, #tpu.memory_space<vmem_shared>> -> memref<120x128xf32, #tpu.memory_space<vmem_shared>>
      %dma_start3A_77 = arith.constant 0 : i32
      %dma_start3A_78 = tpu.memref_slice %arg9[%add3A_16, %dma_start3A_77] : memref<10000x128xf32, #tpu.memory_space<vmem_shared>> -> memref<120x128xf32, #tpu.memory_space<vmem_shared>>
      %dma_start3A_79 = arith.constant 0 : i32
      %dma_start3A_80 = arith.constant 0 : i32
      %dma_start3A_81 = tpu.memref_slice %arg7[%dma_start3A_79, %dma_start3A_80] : memref<128x128xf32, #tpu.memory_space<vmem>> -> memref<120x128xf32, #tpu.memory_space<vmem>>
      tpu.enqueue_dma source(%dma_start3A_81 : memref<120x128xf32, #tpu.memory_space<vmem>>) target(%dma_start3A_78 : memref<120x128xf32, #tpu.memory_space<vmem_shared>>) target_semaphore(%run_scoped3A_71 : memref<!tpu.dma_semaphore, #tpu.memory_space<semaphore_mem>>)
      %dma_wait3A = arith.constant 0 : i32
      %dma_wait3A_82 = arith.constant 0 : i32
      %dma_wait3A_83 = tpu.memref_slice %arg7[%dma_wait3A, %dma_wait3A_82] : memref<128x128xf32, #tpu.memory_space<vmem>> -> memref<120x128xf32, #tpu.memory_space<vmem>>
      %dma_wait3A_84 = arith.constant 0 : i32
      %dma_wait3A_85 = tpu.memref_slice %arg9[%add3A_16, %dma_wait3A_84] : memref<10000x128xf32, #tpu.memory_space<vmem_shared>> -> memref<120x128xf32, #tpu.memory_space<vmem_shared>>
      %dma_wait3A_86 = arith.constant 0 : i32
      %dma_wait3A_87 = tpu.memref_slice %arg9[%add3A_16, %dma_wait3A_86] : memref<10000x128xf32, #tpu.memory_space<vmem_shared>> -> memref<120x128xf32, #tpu.memory_space<vmem_shared>>
      %dma_wait3A_88 = arith.constant 0 : i32
      %dma_wait3A_89 = arith.constant 0 : i32
      %dma_wait3A_90 = tpu.memref_slice %arg7[%dma_wait3A_88, %dma_wait3A_89] : memref<128x128xf32, #tpu.memory_space<vmem>> -> memref<120x128xf32, #tpu.memory_space<vmem>>
      tpu.wait_dma2 semaphore(%run_scoped3A_71 : memref<!tpu.dma_semaphore, #tpu.memory_space<semaphore_mem>>) src(%dma_wait3A_90 : memref<120x128xf32, #tpu.memory_space<vmem>>) dst(%dma_wait3A_87 : memref<120x128xf32, #tpu.memory_space<vmem_shared>>)
      tpu.yield
    }) : () -> ()
    %add3A_17 = arith.constant 600 : i32
    %add3A_18 = arith.addi %mul3A_6, %add3A_17 : i32
    "tpu.region"() ({
      %run_scoped3A_71 = tpu.sem_alloc : memref<!tpu.dma_semaphore, #tpu.memory_space<semaphore_mem>>
      %dma_start3A_72 = arith.constant 0 : i32
      %dma_start3A_73 = arith.constant 0 : i32
      %dma_start3A_74 = tpu.memref_slice %arg7[%dma_start3A_72, %dma_start3A_73] : memref<128x128xf32, #tpu.memory_space<vmem>> -> memref<24x128xf32, #tpu.memory_space<vmem>>
      %dma_start3A_75 = arith.constant 0 : i32
      %dma_start3A_76 = tpu.memref_slice %arg9[%add3A_18, %dma_start3A_75] : memref<10000x128xf32, #tpu.memory_space<vmem_shared>> -> memref<24x128xf32, #tpu.memory_space<vmem_shared>>
      %dma_start3A_77 = arith.constant 0 : i32
      %dma_start3A_78 = tpu.memref_slice %arg9[%add3A_18, %dma_start3A_77] : memref<10000x128xf32, #tpu.memory_space<vmem_shared>> -> memref<24x128xf32, #tpu.memory_space<vmem_shared>>
      %dma_start3A_79 = arith.constant 0 : i32
      %dma_start3A_80 = arith.constant 0 : i32
      %dma_start3A_81 = tpu.memref_slice %arg7[%dma_start3A_79, %dma_start3A_80] : memref<128x128xf32, #tpu.memory_space<vmem>> -> memref<24x128xf32, #tpu.memory_space<vmem>>
      tpu.enqueue_dma source(%dma_start3A_81 : memref<24x128xf32, #tpu.memory_space<vmem>>) target(%dma_start3A_78 : memref<24x128xf32, #tpu.memory_space<vmem_shared>>) target_semaphore(%run_scoped3A_71 : memref<!tpu.dma_semaphore, #tpu.memory_space<semaphore_mem>>)
      %dma_wait3A = arith.constant 0 : i32
      %dma_wait3A_82 = arith.constant 0 : i32
      %dma_wait3A_83 = tpu.memref_slice %arg7[%dma_wait3A, %dma_wait3A_82] : memref<128x128xf32, #tpu.memory_space<vmem>> -> memref<24x128xf32, #tpu.memory_space<vmem>>
      %dma_wait3A_84 = arith.constant 0 : i32
      %dma_wait3A_85 = tpu.memref_slice %arg9[%add3A_18, %dma_wait3A_84] : memref<10000x128xf32, #tpu.memory_space<vmem_shared>> -> memref<24x128xf32, #tpu.memory_space<vmem_shared>>
      %dma_wait3A_86 = arith.constant 0 : i32
      %dma_wait3A_87 = tpu.memref_slice %arg9[%add3A_18, %dma_wait3A_86] : memref<10000x128xf32, #tpu.memory_space<vmem_shared>> -> memref<24x128xf32, #tpu.memory_space<vmem_shared>>
      %dma_wait3A_88 = arith.constant 0 : i32
      %dma_wait3A_89 = arith.constant 0 : i32
      %dma_wait3A_90 = tpu.memref_slice %arg7[%dma_wait3A_88, %dma_wait3A_89] : memref<128x128xf32, #tpu.memory_space<vmem>> -> memref<24x128xf32, #tpu.memory_space<vmem>>
      tpu.wait_dma2 semaphore(%run_scoped3A_71 : memref<!tpu.dma_semaphore, #tpu.memory_space<semaphore_mem>>) src(%dma_wait3A_90 : memref<24x128xf32, #tpu.memory_space<vmem>>) dst(%dma_wait3A_87 : memref<24x128xf32, #tpu.memory_space<vmem_shared>>)
      tpu.yield
    }) : () -> ()
    %eq3A = arith.constant 15 : i32
    %eq3A_19 = arith.cmpi eq, %arg1, %eq3A : i32
    %convert_element_type3A = arith.extui %eq3A_19 : i1 to i32
    %cond3A = arith.constant 0 : i32
    %cond3A_20 = arith.cmpi ne, %convert_element_type3A, %cond3A : i32
    scf.if %cond3A_20 {
      "tpu.region"() ({
        %run_scoped3A_71 = tpu.sem_alloc : memref<!tpu.dma_semaphore, #tpu.memory_space<semaphore_mem>>
        %dma_start3A_72 = arith.constant 0 : i32
        %dma_start3A_73 = arith.constant 0 : i32
        %dma_start3A_74 = tpu.memref_slice %arg7[%dma_start3A_72, %dma_start3A_73] : memref<128x128xf32, #tpu.memory_space<vmem>> -> memref<16x128xf32, #tpu.memory_space<vmem>>
        %dma_start3A_75 = arith.constant 9984 : i32
        %dma_start3A_76 = arith.constant 0 : i32
        %dma_start3A_77 = tpu.memref_slice %arg9[%dma_start3A_75, %dma_start3A_76] : memref<10000x128xf32, #tpu.memory_space<vmem_shared>> -> memref<16x128xf32, #tpu.memory_space<vmem_shared>>
        %dma_start3A_78 = arith.constant 9984 : i32
        %dma_start3A_79 = arith.constant 0 : i32
        %dma_start3A_80 = tpu.memref_slice %arg9[%dma_start3A_78, %dma_start3A_79] : memref<10000x128xf32, #tpu.memory_space<vmem_shared>> -> memref<16x128xf32, #tpu.memory_space<vmem_shared>>
        %dma_start3A_81 = arith.constant 0 : i32
        %dma_start3A_82 = arith.constant 0 : i32
        %dma_start3A_83 = tpu.memref_slice %arg7[%dma_start3A_81, %dma_start3A_82] : memref<128x128xf32, #tpu.memory_space<vmem>> -> memref<16x128xf32, #tpu.memory_space<vmem>>
        tpu.enqueue_dma source(%dma_start3A_83 : memref<16x128xf32, #tpu.memory_space<vmem>>) target(%dma_start3A_80 : memref<16x128xf32, #tpu.memory_space<vmem_shared>>) target_semaphore(%run_scoped3A_71 : memref<!tpu.dma_semaphore, #tpu.memory_space<semaphore_mem>>)
        %dma_wait3A = arith.constant 0 : i32
        %dma_wait3A_84 = arith.constant 0 : i32
        %dma_wait3A_85 = tpu.memref_slice %arg7[%dma_wait3A, %dma_wait3A_84] : memref<128x128xf32, #tpu.memory_space<vmem>> -> memref<16x128xf32, #tpu.memory_space<vmem>>
        %dma_wait3A_86 = arith.constant 9984 : i32
        %dma_wait3A_87 = arith.constant 0 : i32
        %dma_wait3A_88 = tpu.memref_slice %arg9[%dma_wait3A_86, %dma_wait3A_87] : memref<10000x128xf32, #tpu.memory_space<vmem_shared>> -> memref<16x128xf32, #tpu.memory_space<vmem_shared>>
        %dma_wait3A_89 = arith.constant 9984 : i32
        %dma_wait3A_90 = arith.constant 0 : i32
        %dma_wait3A_91 = tpu.memref_slice %arg9[%dma_wait3A_89, %dma_wait3A_90] : memref<10000x128xf32, #tpu.memory_space<vmem_shared>> -> memref<16x128xf32, #tpu.memory_space<vmem_shared>>
        %dma_wait3A_92 = arith.constant 0 : i32
        %dma_wait3A_93 = arith.constant 0 : i32
        %dma_wait3A_94 = tpu.memref_slice %arg7[%dma_wait3A_92, %dma_wait3A_93] : memref<128x128xf32, #tpu.memory_space<vmem>> -> memref<16x128xf32, #tpu.memory_space<vmem>>
        tpu.wait_dma2 semaphore(%run_scoped3A_71 : memref<!tpu.dma_semaphore, #tpu.memory_space<semaphore_mem>>) src(%dma_wait3A_94 : memref<16x128xf32, #tpu.memory_space<vmem>>) dst(%dma_wait3A_91 : memref<16x128xf32, #tpu.memory_space<vmem_shared>>)
        tpu.yield
      }) : () -> ()
    } else {
    }
    %barrier3A = arith.constant 0 : index
    tpu.barrier barrier_id(%barrier3A)
    %mul3A_21 = arith.constant 9984 : i32
    %mul3A_22 = arith.muli %add3A, %mul3A_21 : i32
    %add3A_23 = arith.constant 0 : i32
    %add3A_24 = arith.addi %mul3A_22, %add3A_23 : i32
    %run_scoped3A = arith.constant 0 : i32
    "tpu.region"() ({
      %run_scoped3A_71 = tpu.sem_alloc : memref<!tpu.dma_semaphore, #tpu.memory_space<semaphore_mem>>
      %dma_start3A_72 = arith.constant 0 : i32
      %dma_start3A_73 = tpu.memref_slice %arg5[%dma_start3A_72] : memref<6144xi32, #tpu.memory_space<vmem>> -> memref<6144xi32, #tpu.memory_space<vmem>>
      %dma_start3A_74 = arith.constant 0 : i32
      %dma_start3A_75 = tpu.memref_slice %arg3[%run_scoped3A, %dma_start3A_74] : memref<2x320000xi32, #tpu.memory_space<hbm>> -> memref<1x320000xi32, #tpu.memory_space<hbm>>
      %dma_start3A_76 = tpu.memref_squeeze %dma_start3A_75 : memref<1x320000xi32, #tpu.memory_space<hbm>> -> memref<320000xi32, #tpu.memory_space<hbm>>
      %dma_start3A_77 = tpu.memref_slice %dma_start3A_76[%add3A_24] : memref<320000xi32, #tpu.memory_space<hbm>> -> memref<6144xi32, #tpu.memory_space<hbm>>
      %dma_start3A_78 = arith.constant 0 : i32
      %dma_start3A_79 = tpu.memref_slice %arg5[%dma_start3A_78] : memref<6144xi32, #tpu.memory_space<vmem>> -> memref<6144xi32, #tpu.memory_space<vmem>>
      %dma_start3A_80 = arith.constant 0 : i32
      %dma_start3A_81 = tpu.memref_slice %arg3[%run_scoped3A, %dma_start3A_80] : memref<2x320000xi32, #tpu.memory_space<hbm>> -> memref<1x320000xi32, #tpu.memory_space<hbm>>
      %dma_start3A_82 = tpu.memref_squeeze %dma_start3A_81 : memref<1x320000xi32, #tpu.memory_space<hbm>> -> memref<320000xi32, #tpu.memory_space<hbm>>
      %dma_start3A_83 = tpu.memref_slice %dma_start3A_82[%add3A_24] : memref<320000xi32, #tpu.memory_space<hbm>> -> memref<6144xi32, #tpu.memory_space<hbm>>
      tpu.enqueue_dma source(%dma_start3A_83 : memref<6144xi32, #tpu.memory_space<hbm>>) target(%dma_start3A_79 : memref<6144xi32, #tpu.memory_space<vmem>>) target_semaphore(%run_scoped3A_71 : memref<!tpu.dma_semaphore, #tpu.memory_space<semaphore_mem>>)
      %dma_wait3A = arith.constant 0 : i32
      %dma_wait3A_84 = tpu.memref_slice %arg5[%dma_wait3A] : memref<6144xi32, #tpu.memory_space<vmem>> -> memref<6144xi32, #tpu.memory_space<vmem>>
      %dma_wait3A_85 = arith.constant 0 : i32
      %dma_wait3A_86 = tpu.memref_slice %arg3[%run_scoped3A, %dma_wait3A_85] : memref<2x320000xi32, #tpu.memory_space<hbm>> -> memref<1x320000xi32, #tpu.memory_space<hbm>>
      %dma_wait3A_87 = tpu.memref_squeeze %dma_wait3A_86 : memref<1x320000xi32, #tpu.memory_space<hbm>> -> memref<320000xi32, #tpu.memory_space<hbm>>
      %dma_wait3A_88 = tpu.memref_slice %dma_wait3A_87[%add3A_24] : memref<320000xi32, #tpu.memory_space<hbm>> -> memref<6144xi32, #tpu.memory_space<hbm>>
      %dma_wait3A_89 = arith.constant 0 : i32
      %dma_wait3A_90 = tpu.memref_slice %arg5[%dma_wait3A_89] : memref<6144xi32, #tpu.memory_space<vmem>> -> memref<6144xi32, #tpu.memory_space<vmem>>
      %dma_wait3A_91 = arith.constant 0 : i32
      %dma_wait3A_92 = tpu.memref_slice %arg3[%run_scoped3A, %dma_wait3A_91] : memref<2x320000xi32, #tpu.memory_space<hbm>> -> memref<1x320000xi32, #tpu.memory_space<hbm>>
      %dma_wait3A_93 = tpu.memref_squeeze %dma_wait3A_92 : memref<1x320000xi32, #tpu.memory_space<hbm>> -> memref<320000xi32, #tpu.memory_space<hbm>>
      %dma_wait3A_94 = tpu.memref_slice %dma_wait3A_93[%add3A_24] : memref<320000xi32, #tpu.memory_space<hbm>> -> memref<6144xi32, #tpu.memory_space<hbm>>
      tpu.wait_dma2 semaphore(%run_scoped3A_71 : memref<!tpu.dma_semaphore, #tpu.memory_space<semaphore_mem>>) src(%dma_wait3A_94 : memref<6144xi32, #tpu.memory_space<hbm>>) dst(%dma_wait3A_90 : memref<6144xi32, #tpu.memory_space<vmem>>)
      tpu.yield
    }) : () -> ()
    %run_scoped3A_25 = arith.constant 1 : i32
    "tpu.region"() ({
      %run_scoped3A_71 = tpu.sem_alloc : memref<!tpu.dma_semaphore, #tpu.memory_space<semaphore_mem>>
      %dma_start3A_72 = arith.constant 0 : i32
      %dma_start3A_73 = tpu.memref_slice %arg6[%dma_start3A_72] : memref<6144xi32, #tpu.memory_space<vmem>> -> memref<6144xi32, #tpu.memory_space<vmem>>
      %dma_start3A_74 = arith.constant 0 : i32
      %dma_start3A_75 = tpu.memref_slice %arg3[%run_scoped3A_25, %dma_start3A_74] : memref<2x320000xi32, #tpu.memory_space<hbm>> -> memref<1x320000xi32, #tpu.memory_space<hbm>>
      %dma_start3A_76 = tpu.memref_squeeze %dma_start3A_75 : memref<1x320000xi32, #tpu.memory_space<hbm>> -> memref<320000xi32, #tpu.memory_space<hbm>>
      %dma_start3A_77 = tpu.memref_slice %dma_start3A_76[%add3A_24] : memref<320000xi32, #tpu.memory_space<hbm>> -> memref<6144xi32, #tpu.memory_space<hbm>>
      %dma_start3A_78 = arith.constant 0 : i32
      %dma_start3A_79 = tpu.memref_slice %arg6[%dma_start3A_78] : memref<6144xi32, #tpu.memory_space<vmem>> -> memref<6144xi32, #tpu.memory_space<vmem>>
      %dma_start3A_80 = arith.constant 0 : i32
      %dma_start3A_81 = tpu.memref_slice %arg3[%run_scoped3A_25, %dma_start3A_80] : memref<2x320000xi32, #tpu.memory_space<hbm>> -> memref<1x320000xi32, #tpu.memory_space<hbm>>
      %dma_start3A_82 = tpu.memref_squeeze %dma_start3A_81 : memref<1x320000xi32, #tpu.memory_space<hbm>> -> memref<320000xi32, #tpu.memory_space<hbm>>
      %dma_start3A_83 = tpu.memref_slice %dma_start3A_82[%add3A_24] : memref<320000xi32, #tpu.memory_space<hbm>> -> memref<6144xi32, #tpu.memory_space<hbm>>
      tpu.enqueue_dma source(%dma_start3A_83 : memref<6144xi32, #tpu.memory_space<hbm>>) target(%dma_start3A_79 : memref<6144xi32, #tpu.memory_space<vmem>>) target_semaphore(%run_scoped3A_71 : memref<!tpu.dma_semaphore, #tpu.memory_space<semaphore_mem>>)
      %dma_wait3A = arith.constant 0 : i32
      %dma_wait3A_84 = tpu.memref_slice %arg6[%dma_wait3A] : memref<6144xi32, #tpu.memory_space<vmem>> -> memref<6144xi32, #tpu.memory_space<vmem>>
      %dma_wait3A_85 = arith.constant 0 : i32
      %dma_wait3A_86 = tpu.memref_slice %arg3[%run_scoped3A_25, %dma_wait3A_85] : memref<2x320000xi32, #tpu.memory_space<hbm>> -> memref<1x320000xi32, #tpu.memory_space<hbm>>
      %dma_wait3A_87 = tpu.memref_squeeze %dma_wait3A_86 : memref<1x320000xi32, #tpu.memory_space<hbm>> -> memref<320000xi32, #tpu.memory_space<hbm>>
      %dma_wait3A_88 = tpu.memref_slice %dma_wait3A_87[%add3A_24] : memref<320000xi32, #tpu.memory_space<hbm>> -> memref<6144xi32, #tpu.memory_space<hbm>>
      %dma_wait3A_89 = arith.constant 0 : i32
      %dma_wait3A_90 = tpu.memref_slice %arg6[%dma_wait3A_89] : memref<6144xi32, #tpu.memory_space<vmem>> -> memref<6144xi32, #tpu.memory_space<vmem>>
      %dma_wait3A_91 = arith.constant 0 : i32
      %dma_wait3A_92 = tpu.memref_slice %arg3[%run_scoped3A_25, %dma_wait3A_91] : memref<2x320000xi32, #tpu.memory_space<hbm>> -> memref<1x320000xi32, #tpu.memory_space<hbm>>
      %dma_wait3A_93 = tpu.memref_squeeze %dma_wait3A_92 : memref<1x320000xi32, #tpu.memory_space<hbm>> -> memref<320000xi32, #tpu.memory_space<hbm>>
      %dma_wait3A_94 = tpu.memref_slice %dma_wait3A_93[%add3A_24] : memref<320000xi32, #tpu.memory_space<hbm>> -> memref<6144xi32, #tpu.memory_space<hbm>>
      tpu.wait_dma2 semaphore(%run_scoped3A_71 : memref<!tpu.dma_semaphore, #tpu.memory_space<semaphore_mem>>) src(%dma_wait3A_94 : memref<6144xi32, #tpu.memory_space<hbm>>) dst(%dma_wait3A_90 : memref<6144xi32, #tpu.memory_space<vmem>>)
      tpu.yield
    }) : () -> ()
    %dma_start3A = arith.constant 0 : i32
    %dma_start3A_26 = tpu.memref_slice %arg5[%dma_start3A] : memref<6144xi32, #tpu.memory_space<vmem>> -> memref<128xi32, #tpu.memory_space<vmem>>
    %dma_start3A_27 = arith.constant 0 : i32
    %dma_start3A_28 = arith.constant 0 : i32
    %dma_start3A_29 = tpu.memref_slice %arg2[%dma_start3A_27, %dma_start3A_28] : memref<10000x128xf32, #tpu.memory_space<hbm>> -> memref<10000x128xf32, #tpu.memory_space<hbm>>
    tpu.enqueue_indirect_dma source(%dma_start3A_29 : memref<10000x128xf32, #tpu.memory_space<hbm>>) target(%arg7 : memref<128x128xf32, #tpu.memory_space<vmem>>) offsets(%dma_start3A_26 : memref<128xi32, #tpu.memory_space<vmem>>) semaphore(%arg10 : memref<!tpu.dma_semaphore, #tpu.memory_space<semaphore_mem>>)
    %dma_start3A_30 = arith.constant 128 : i32
    %dma_start3A_31 = tpu.memref_slice %arg5[%dma_start3A_30] : memref<6144xi32, #tpu.memory_space<vmem>> -> memref<128xi32, #tpu.memory_space<vmem>>
    %dma_start3A_32 = arith.constant 0 : i32
    %dma_start3A_33 = arith.constant 0 : i32
    %dma_start3A_34 = tpu.memref_slice %arg2[%dma_start3A_32, %dma_start3A_33] : memref<10000x128xf32, #tpu.memory_space<hbm>> -> memref<10000x128xf32, #tpu.memory_space<hbm>>
    tpu.enqueue_indirect_dma source(%dma_start3A_34 : memref<10000x128xf32, #tpu.memory_space<hbm>>) target(%arg8 : memref<128x128xf32, #tpu.memory_space<vmem>>) offsets(%dma_start3A_31 : memref<128xi32, #tpu.memory_space<vmem>>) semaphore(%arg11 : memref<!tpu.dma_semaphore, #tpu.memory_space<semaphore_mem>>)
    %scan3A_35 = arith.constant 0 : i32
    %scan3A_36 = arith.constant 24 : i32
    %scan3A_37 = arith.addi %scan3A_35, %scan3A_36 : i32
    %scan3A_38 = arith.constant 1 : i32
    scf.for %scan3A_71 = %scan3A_35 to %scan3A_37 step %scan3A_38  : i32 {
      %mul3A_72 = arith.constant 2 : i32
      %mul3A_73 = arith.muli %scan3A_71, %mul3A_72 : i32
      %add3A_74 = arith.constant 0 : i32
      %add3A_75 = arith.addi %add3A_74, %mul3A_73 : i32
      %mul3A_76 = arith.constant 128 : i32
      %mul3A_77 = arith.muli %add3A_75, %mul3A_76 : i32
      %dma_wait3A = tpu.memref_slice %arg5[%mul3A_77] : memref<6144xi32, #tpu.memory_space<vmem>> -> memref<128xi32, #tpu.memory_space<vmem>>
      %dma_wait3A_78 = arith.constant 0 : i32
      %dma_wait3A_79 = arith.constant 0 : i32
      %dma_wait3A_80 = tpu.memref_slice %arg2[%dma_wait3A_78, %dma_wait3A_79] : memref<10000x128xf32, #tpu.memory_space<hbm>> -> memref<10000x128xf32, #tpu.memory_space<hbm>>
      tpu.wait_indirect_dma semaphore(%arg10 : memref<!tpu.dma_semaphore, #tpu.memory_space<semaphore_mem>>) src(%dma_wait3A_80 : memref<10000x128xf32, #tpu.memory_space<hbm>>) dst(%arg7 : memref<128x128xf32, #tpu.memory_space<vmem>>)
      %mul3A_81 = arith.constant 128 : i32
      %mul3A_82 = arith.muli %add3A_75, %mul3A_81 : i32
      "tpu.region"() ({
        %run_scoped3A_109 = tpu.sem_alloc : memref<!tpu.dma_semaphore, #tpu.memory_space<semaphore_mem>>
        %dma_start3A_110 = tpu.memref_slice %arg6[%mul3A_82] : memref<6144xi32, #tpu.memory_space<vmem>> -> memref<128xi32, #tpu.memory_space<vmem>>
        %dma_start3A_111 = arith.constant 0 : i32
        %dma_start3A_112 = arith.constant 0 : i32
        %dma_start3A_113 = tpu.memref_slice %arg9[%dma_start3A_111, %dma_start3A_112] : memref<10000x128xf32, #tpu.memory_space<vmem_shared>> -> memref<10000x128xf32, #tpu.memory_space<vmem_shared>>
        tpu.enqueue_indirect_dma source(%arg7 : memref<128x128xf32, #tpu.memory_space<vmem>>) target(%dma_start3A_113 : memref<10000x128xf32, #tpu.memory_space<vmem_shared>>) offsets(%dma_start3A_110 : memref<128xi32, #tpu.memory_space<vmem>>) semaphore(%run_scoped3A_109 : memref<!tpu.dma_semaphore, #tpu.memory_space<semaphore_mem>>) {add = true}
        %dma_wait3A_114 = tpu.memref_slice %arg6[%mul3A_82] : memref<6144xi32, #tpu.memory_space<vmem>> -> memref<128xi32, #tpu.memory_space<vmem>>
        %dma_wait3A_115 = arith.constant 0 : i32
        %dma_wait3A_116 = arith.constant 0 : i32
        %dma_wait3A_117 = tpu.memref_slice %arg9[%dma_wait3A_115, %dma_wait3A_116] : memref<10000x128xf32, #tpu.memory_space<vmem_shared>> -> memref<10000x128xf32, #tpu.memory_space<vmem_shared>>
        tpu.wait_indirect_dma semaphore(%run_scoped3A_109 : memref<!tpu.dma_semaphore, #tpu.memory_space<semaphore_mem>>) src(%arg7 : memref<128x128xf32, #tpu.memory_space<vmem>>) dst(%dma_wait3A_117 : memref<10000x128xf32, #tpu.memory_space<vmem_shared>>)
        tpu.yield
      }) : () -> ()
      %add3A_83 = arith.constant 2 : i32
      %add3A_84 = arith.addi %add3A_75, %add3A_83 : i32
      %lt3A_85 = arith.constant 48 : i32
      %lt3A_86 = arith.cmpi slt, %add3A_84, %lt3A_85 : i32
      %convert_element_type3A_87 = arith.extui %lt3A_86 : i1 to i32
      %cond3A_88 = arith.constant 0 : i32
      %cond3A_89 = arith.cmpi ne, %convert_element_type3A_87, %cond3A_88 : i32
      scf.if %cond3A_89 {
        %add3A_109 = arith.constant 2 : i32
        %add3A_110 = arith.addi %add3A_75, %add3A_109 : i32
        %mul3A_111 = arith.constant 128 : i32
        %mul3A_112 = arith.muli %add3A_110, %mul3A_111 : i32
        %dma_start3A_113 = tpu.memref_slice %arg5[%mul3A_112] : memref<6144xi32, #tpu.memory_space<vmem>> -> memref<128xi32, #tpu.memory_space<vmem>>
        %dma_start3A_114 = arith.constant 0 : i32
        %dma_start3A_115 = arith.constant 0 : i32
        %dma_start3A_116 = tpu.memref_slice %arg2[%dma_start3A_114, %dma_start3A_115] : memref<10000x128xf32, #tpu.memory_space<hbm>> -> memref<10000x128xf32, #tpu.memory_space<hbm>>
        tpu.enqueue_indirect_dma source(%dma_start3A_116 : memref<10000x128xf32, #tpu.memory_space<hbm>>) target(%arg7 : memref<128x128xf32, #tpu.memory_space<vmem>>) offsets(%dma_start3A_113 : memref<128xi32, #tpu.memory_space<vmem>>) semaphore(%arg10 : memref<!tpu.dma_semaphore, #tpu.memory_space<semaphore_mem>>)
      } else {
      }
      %add3A_90 = arith.constant 1 : i32
      %add3A_91 = arith.addi %add3A_75, %add3A_90 : i32
      %mul3A_92 = arith.constant 128 : i32
      %mul3A_93 = arith.muli %add3A_91, %mul3A_92 : i32
      %dma_wait3A_94 = tpu.memref_slice %arg5[%mul3A_93] : memref<6144xi32, #tpu.memory_space<vmem>> -> memref<128xi32, #tpu.memory_space<vmem>>
      %dma_wait3A_95 = arith.constant 0 : i32
      %dma_wait3A_96 = arith.constant 0 : i32
      %dma_wait3A_97 = tpu.memref_slice %arg2[%dma_wait3A_95, %dma_wait3A_96] : memref<10000x128xf32, #tpu.memory_space<hbm>> -> memref<10000x128xf32, #tpu.memory_space<hbm>>
      tpu.wait_indirect_dma semaphore(%arg11 : memref<!tpu.dma_semaphore, #tpu.memory_space<semaphore_mem>>) src(%dma_wait3A_97 : memref<10000x128xf32, #tpu.memory_space<hbm>>) dst(%arg8 : memref<128x128xf32, #tpu.memory_space<vmem>>)
      %add3A_98 = arith.constant 1 : i32
      %add3A_99 = arith.addi %add3A_75, %add3A_98 : i32
      %mul3A_100 = arith.constant 128 : i32
      %mul3A_101 = arith.muli %add3A_99, %mul3A_100 : i32
      "tpu.region"() ({
        %run_scoped3A_109 = tpu.sem_alloc : memref<!tpu.dma_semaphore, #tpu.memory_space<semaphore_mem>>
        %dma_start3A_110 = tpu.memref_slice %arg6[%mul3A_101] : memref<6144xi32, #tpu.memory_space<vmem>> -> memref<128xi32, #tpu.memory_space<vmem>>
        %dma_start3A_111 = arith.constant 0 : i32
        %dma_start3A_112 = arith.constant 0 : i32
        %dma_start3A_113 = tpu.memref_slice %arg9[%dma_start3A_111, %dma_start3A_112] : memref<10000x128xf32, #tpu.memory_space<vmem_shared>> -> memref<10000x128xf32, #tpu.memory_space<vmem_shared>>
        tpu.enqueue_indirect_dma source(%arg8 : memref<128x128xf32, #tpu.memory_space<vmem>>) target(%dma_start3A_113 : memref<10000x128xf32, #tpu.memory_space<vmem_shared>>) offsets(%dma_start3A_110 : memref<128xi32, #tpu.memory_space<vmem>>) semaphore(%run_scoped3A_109 : memref<!tpu.dma_semaphore, #tpu.memory_space<semaphore_mem>>) {add = true}
        %dma_wait3A_114 = tpu.memref_slice %arg6[%mul3A_101] : memref<6144xi32, #tpu.memory_space<vmem>> -> memref<128xi32, #tpu.memory_space<vmem>>
        %dma_wait3A_115 = arith.constant 0 : i32
        %dma_wait3A_116 = arith.constant 0 : i32
        %dma_wait3A_117 = tpu.memref_slice %arg9[%dma_wait3A_115, %dma_wait3A_116] : memref<10000x128xf32, #tpu.memory_space<vmem_shared>> -> memref<10000x128xf32, #tpu.memory_space<vmem_shared>>
        tpu.wait_indirect_dma semaphore(%run_scoped3A_109 : memref<!tpu.dma_semaphore, #tpu.memory_space<semaphore_mem>>) src(%arg8 : memref<128x128xf32, #tpu.memory_space<vmem>>) dst(%dma_wait3A_117 : memref<10000x128xf32, #tpu.memory_space<vmem_shared>>)
        tpu.yield
      }) : () -> ()
      %add3A_102 = arith.constant 3 : i32
      %add3A_103 = arith.addi %add3A_75, %add3A_102 : i32
      %lt3A_104 = arith.constant 48 : i32
      %lt3A_105 = arith.cmpi slt, %add3A_103, %lt3A_104 : i32
      %convert_element_type3A_106 = arith.extui %lt3A_105 : i1 to i32
      %cond3A_107 = arith.constant 0 : i32
      %cond3A_108 = arith.cmpi ne, %convert_element_type3A_106, %cond3A_107 : i32
      scf.if %cond3A_108 {
        %add3A_109 = arith.constant 3 : i32
        %add3A_110 = arith.addi %add3A_75, %add3A_109 : i32
        %mul3A_111 = arith.constant 128 : i32
        %mul3A_112 = arith.muli %add3A_110, %mul3A_111 : i32
        %dma_start3A_113 = tpu.memref_slice %arg5[%mul3A_112] : memref<6144xi32, #tpu.memory_space<vmem>> -> memref<128xi32, #tpu.memory_space<vmem>>
        %dma_start3A_114 = arith.constant 0 : i32
        %dma_start3A_115 = arith.constant 0 : i32
        %dma_start3A_116 = tpu.memref_slice %arg2[%dma_start3A_114, %dma_start3A_115] : memref<10000x128xf32, #tpu.memory_space<hbm>> -> memref<10000x128xf32, #tpu.memory_space<hbm>>
        tpu.enqueue_indirect_dma source(%dma_start3A_116 : memref<10000x128xf32, #tpu.memory_space<hbm>>) target(%arg8 : memref<128x128xf32, #tpu.memory_space<vmem>>) offsets(%dma_start3A_113 : memref<128xi32, #tpu.memory_space<vmem>>) semaphore(%arg11 : memref<!tpu.dma_semaphore, #tpu.memory_space<semaphore_mem>>)
      } else {
      }
    }
    %scan3A_39 = arith.constant 24 : i32
    %mul3A_40 = arith.constant 9984 : i32
    %mul3A_41 = arith.muli %add3A, %mul3A_40 : i32
    %add3A_42 = arith.constant 6144 : i32
    %add3A_43 = arith.addi %mul3A_41, %add3A_42 : i32
    %run_scoped3A_44 = arith.constant 0 : i32
    "tpu.region"() ({
      %run_scoped3A_71 = tpu.sem_alloc : memref<!tpu.dma_semaphore, #tpu.memory_space<semaphore_mem>>
      %dma_start3A_72 = arith.constant 0 : i32
      %dma_start3A_73 = tpu.memref_slice %arg5[%dma_start3A_72] : memref<6144xi32, #tpu.memory_space<vmem>> -> memref<3840xi32, #tpu.memory_space<vmem>>
      %dma_start3A_74 = arith.constant 0 : i32
      %dma_start3A_75 = tpu.memref_slice %arg3[%run_scoped3A_44, %dma_start3A_74] : memref<2x320000xi32, #tpu.memory_space<hbm>> -> memref<1x320000xi32, #tpu.memory_space<hbm>>
      %dma_start3A_76 = tpu.memref_squeeze %dma_start3A_75 : memref<1x320000xi32, #tpu.memory_space<hbm>> -> memref<320000xi32, #tpu.memory_space<hbm>>
      %dma_start3A_77 = tpu.memref_slice %dma_start3A_76[%add3A_43] : memref<320000xi32, #tpu.memory_space<hbm>> -> memref<3840xi32, #tpu.memory_space<hbm>>
      %dma_start3A_78 = arith.constant 0 : i32
      %dma_start3A_79 = tpu.memref_slice %arg5[%dma_start3A_78] : memref<6144xi32, #tpu.memory_space<vmem>> -> memref<3840xi32, #tpu.memory_space<vmem>>
      %dma_start3A_80 = arith.constant 0 : i32
      %dma_start3A_81 = tpu.memref_slice %arg3[%run_scoped3A_44, %dma_start3A_80] : memref<2x320000xi32, #tpu.memory_space<hbm>> -> memref<1x320000xi32, #tpu.memory_space<hbm>>
      %dma_start3A_82 = tpu.memref_squeeze %dma_start3A_81 : memref<1x320000xi32, #tpu.memory_space<hbm>> -> memref<320000xi32, #tpu.memory_space<hbm>>
      %dma_start3A_83 = tpu.memref_slice %dma_start3A_82[%add3A_43] : memref<320000xi32, #tpu.memory_space<hbm>> -> memref<3840xi32, #tpu.memory_space<hbm>>
      tpu.enqueue_dma source(%dma_start3A_83 : memref<3840xi32, #tpu.memory_space<hbm>>) target(%dma_start3A_79 : memref<3840xi32, #tpu.memory_space<vmem>>) target_semaphore(%run_scoped3A_71 : memref<!tpu.dma_semaphore, #tpu.memory_space<semaphore_mem>>)
      %dma_wait3A = arith.constant 0 : i32
      %dma_wait3A_84 = tpu.memref_slice %arg5[%dma_wait3A] : memref<6144xi32, #tpu.memory_space<vmem>> -> memref<3840xi32, #tpu.memory_space<vmem>>
      %dma_wait3A_85 = arith.constant 0 : i32
      %dma_wait3A_86 = tpu.memref_slice %arg3[%run_scoped3A_44, %dma_wait3A_85] : memref<2x320000xi32, #tpu.memory_space<hbm>> -> memref<1x320000xi32, #tpu.memory_space<hbm>>
      %dma_wait3A_87 = tpu.memref_squeeze %dma_wait3A_86 : memref<1x320000xi32, #tpu.memory_space<hbm>> -> memref<320000xi32, #tpu.memory_space<hbm>>
      %dma_wait3A_88 = tpu.memref_slice %dma_wait3A_87[%add3A_43] : memref<320000xi32, #tpu.memory_space<hbm>> -> memref<3840xi32, #tpu.memory_space<hbm>>
      %dma_wait3A_89 = arith.constant 0 : i32
      %dma_wait3A_90 = tpu.memref_slice %arg5[%dma_wait3A_89] : memref<6144xi32, #tpu.memory_space<vmem>> -> memref<3840xi32, #tpu.memory_space<vmem>>
      %dma_wait3A_91 = arith.constant 0 : i32
      %dma_wait3A_92 = tpu.memref_slice %arg3[%run_scoped3A_44, %dma_wait3A_91] : memref<2x320000xi32, #tpu.memory_space<hbm>> -> memref<1x320000xi32, #tpu.memory_space<hbm>>
      %dma_wait3A_93 = tpu.memref_squeeze %dma_wait3A_92 : memref<1x320000xi32, #tpu.memory_space<hbm>> -> memref<320000xi32, #tpu.memory_space<hbm>>
      %dma_wait3A_94 = tpu.memref_slice %dma_wait3A_93[%add3A_43] : memref<320000xi32, #tpu.memory_space<hbm>> -> memref<3840xi32, #tpu.memory_space<hbm>>
      tpu.wait_dma2 semaphore(%run_scoped3A_71 : memref<!tpu.dma_semaphore, #tpu.memory_space<semaphore_mem>>) src(%dma_wait3A_94 : memref<3840xi32, #tpu.memory_space<hbm>>) dst(%dma_wait3A_90 : memref<3840xi32, #tpu.memory_space<vmem>>)
      tpu.yield
    }) : () -> ()
    %run_scoped3A_45 = arith.constant 1 : i32
    "tpu.region"() ({
      %run_scoped3A_71 = tpu.sem_alloc : memref<!tpu.dma_semaphore, #tpu.memory_space<semaphore_mem>>
      %dma_start3A_72 = arith.constant 0 : i32
      %dma_start3A_73 = tpu.memref_slice %arg6[%dma_start3A_72] : memref<6144xi32, #tpu.memory_space<vmem>> -> memref<3840xi32, #tpu.memory_space<vmem>>
      %dma_start3A_74 = arith.constant 0 : i32
      %dma_start3A_75 = tpu.memref_slice %arg3[%run_scoped3A_45, %dma_start3A_74] : memref<2x320000xi32, #tpu.memory_space<hbm>> -> memref<1x320000xi32, #tpu.memory_space<hbm>>
      %dma_start3A_76 = tpu.memref_squeeze %dma_start3A_75 : memref<1x320000xi32, #tpu.memory_space<hbm>> -> memref<320000xi32, #tpu.memory_space<hbm>>
      %dma_start3A_77 = tpu.memref_slice %dma_start3A_76[%add3A_43] : memref<320000xi32, #tpu.memory_space<hbm>> -> memref<3840xi32, #tpu.memory_space<hbm>>
      %dma_start3A_78 = arith.constant 0 : i32
      %dma_start3A_79 = tpu.memref_slice %arg6[%dma_start3A_78] : memref<6144xi32, #tpu.memory_space<vmem>> -> memref<3840xi32, #tpu.memory_space<vmem>>
      %dma_start3A_80 = arith.constant 0 : i32
      %dma_start3A_81 = tpu.memref_slice %arg3[%run_scoped3A_45, %dma_start3A_80] : memref<2x320000xi32, #tpu.memory_space<hbm>> -> memref<1x320000xi32, #tpu.memory_space<hbm>>
      %dma_start3A_82 = tpu.memref_squeeze %dma_start3A_81 : memref<1x320000xi32, #tpu.memory_space<hbm>> -> memref<320000xi32, #tpu.memory_space<hbm>>
      %dma_start3A_83 = tpu.memref_slice %dma_start3A_82[%add3A_43] : memref<320000xi32, #tpu.memory_space<hbm>> -> memref<3840xi32, #tpu.memory_space<hbm>>
      tpu.enqueue_dma source(%dma_start3A_83 : memref<3840xi32, #tpu.memory_space<hbm>>) target(%dma_start3A_79 : memref<3840xi32, #tpu.memory_space<vmem>>) target_semaphore(%run_scoped3A_71 : memref<!tpu.dma_semaphore, #tpu.memory_space<semaphore_mem>>)
      %dma_wait3A = arith.constant 0 : i32
      %dma_wait3A_84 = tpu.memref_slice %arg6[%dma_wait3A] : memref<6144xi32, #tpu.memory_space<vmem>> -> memref<3840xi32, #tpu.memory_space<vmem>>
      %dma_wait3A_85 = arith.constant 0 : i32
      %dma_wait3A_86 = tpu.memref_slice %arg3[%run_scoped3A_45, %dma_wait3A_85] : memref<2x320000xi32, #tpu.memory_space<hbm>> -> memref<1x320000xi32, #tpu.memory_space<hbm>>
      %dma_wait3A_87 = tpu.memref_squeeze %dma_wait3A_86 : memref<1x320000xi32, #tpu.memory_space<hbm>> -> memref<320000xi32, #tpu.memory_space<hbm>>
      %dma_wait3A_88 = tpu.memref_slice %dma_wait3A_87[%add3A_43] : memref<320000xi32, #tpu.memory_space<hbm>> -> memref<3840xi32, #tpu.memory_space<hbm>>
      %dma_wait3A_89 = arith.constant 0 : i32
      %dma_wait3A_90 = tpu.memref_slice %arg6[%dma_wait3A_89] : memref<6144xi32, #tpu.memory_space<vmem>> -> memref<3840xi32, #tpu.memory_space<vmem>>
      %dma_wait3A_91 = arith.constant 0 : i32
      %dma_wait3A_92 = tpu.memref_slice %arg3[%run_scoped3A_45, %dma_wait3A_91] : memref<2x320000xi32, #tpu.memory_space<hbm>> -> memref<1x320000xi32, #tpu.memory_space<hbm>>
      %dma_wait3A_93 = tpu.memref_squeeze %dma_wait3A_92 : memref<1x320000xi32, #tpu.memory_space<hbm>> -> memref<320000xi32, #tpu.memory_space<hbm>>
      %dma_wait3A_94 = tpu.memref_slice %dma_wait3A_93[%add3A_43] : memref<320000xi32, #tpu.memory_space<hbm>> -> memref<3840xi32, #tpu.memory_space<hbm>>
      tpu.wait_dma2 semaphore(%run_scoped3A_71 : memref<!tpu.dma_semaphore, #tpu.memory_space<semaphore_mem>>) src(%dma_wait3A_94 : memref<3840xi32, #tpu.memory_space<hbm>>) dst(%dma_wait3A_90 : memref<3840xi32, #tpu.memory_space<vmem>>)
      tpu.yield
    }) : () -> ()
    %dma_start3A_46 = arith.constant 0 : i32
    %dma_start3A_47 = tpu.memref_slice %arg5[%dma_start3A_46] : memref<6144xi32, #tpu.memory_space<vmem>> -> memref<128xi32, #tpu.memory_space<vmem>>
    %dma_start3A_48 = arith.constant 0 : i32
    %dma_start3A_49 = arith.constant 0 : i32
    %dma_start3A_50 = tpu.memref_slice %arg2[%dma_start3A_48, %dma_start3A_49] : memref<10000x128xf32, #tpu.memory_space<hbm>> -> memref<10000x128xf32, #tpu.memory_space<hbm>>
    tpu.enqueue_indirect_dma source(%dma_start3A_50 : memref<10000x128xf32, #tpu.memory_space<hbm>>) target(%arg7 : memref<128x128xf32, #tpu.memory_space<vmem>>) offsets(%dma_start3A_47 : memref<128xi32, #tpu.memory_space<vmem>>) semaphore(%arg10 : memref<!tpu.dma_semaphore, #tpu.memory_space<semaphore_mem>>)
    %dma_start3A_51 = arith.constant 128 : i32
    %dma_start3A_52 = tpu.memref_slice %arg5[%dma_start3A_51] : memref<6144xi32, #tpu.memory_space<vmem>> -> memref<128xi32, #tpu.memory_space<vmem>>
    %dma_start3A_53 = arith.constant 0 : i32
    %dma_start3A_54 = arith.constant 0 : i32
    %dma_start3A_55 = tpu.memref_slice %arg2[%dma_start3A_53, %dma_start3A_54] : memref<10000x128xf32, #tpu.memory_space<hbm>> -> memref<10000x128xf32, #tpu.memory_space<hbm>>
    tpu.enqueue_indirect_dma source(%dma_start3A_55 : memref<10000x128xf32, #tpu.memory_space<hbm>>) target(%arg8 : memref<128x128xf32, #tpu.memory_space<vmem>>) offsets(%dma_start3A_52 : memref<128xi32, #tpu.memory_space<vmem>>) semaphore(%arg11 : memref<!tpu.dma_semaphore, #tpu.memory_space<semaphore_mem>>)
    %scan3A_56 = arith.constant 0 : i32
    %scan3A_57 = arith.constant 15 : i32
    %scan3A_58 = arith.addi %scan3A_56, %scan3A_57 : i32
    %scan3A_59 = arith.constant 1 : i32
    scf.for %scan3A_71 = %scan3A_56 to %scan3A_58 step %scan3A_59  : i32 {
      %mul3A_72 = arith.constant 2 : i32
      %mul3A_73 = arith.muli %scan3A_71, %mul3A_72 : i32
      %add3A_74 = arith.constant 0 : i32
      %add3A_75 = arith.addi %add3A_74, %mul3A_73 : i32
      %mul3A_76 = arith.constant 128 : i32
      %mul3A_77 = arith.muli %add3A_75, %mul3A_76 : i32
      %dma_wait3A = tpu.memref_slice %arg5[%mul3A_77] : memref<6144xi32, #tpu.memory_space<vmem>> -> memref<128xi32, #tpu.memory_space<vmem>>
      %dma_wait3A_78 = arith.constant 0 : i32
      %dma_wait3A_79 = arith.constant 0 : i32
      %dma_wait3A_80 = tpu.memref_slice %arg2[%dma_wait3A_78, %dma_wait3A_79] : memref<10000x128xf32, #tpu.memory_space<hbm>> -> memref<10000x128xf32, #tpu.memory_space<hbm>>
      tpu.wait_indirect_dma semaphore(%arg10 : memref<!tpu.dma_semaphore, #tpu.memory_space<semaphore_mem>>) src(%dma_wait3A_80 : memref<10000x128xf32, #tpu.memory_space<hbm>>) dst(%arg7 : memref<128x128xf32, #tpu.memory_space<vmem>>)
      %mul3A_81 = arith.constant 128 : i32
      %mul3A_82 = arith.muli %add3A_75, %mul3A_81 : i32
      "tpu.region"() ({
        %run_scoped3A_109 = tpu.sem_alloc : memref<!tpu.dma_semaphore, #tpu.memory_space<semaphore_mem>>
        %dma_start3A_110 = tpu.memref_slice %arg6[%mul3A_82] : memref<6144xi32, #tpu.memory_space<vmem>> -> memref<128xi32, #tpu.memory_space<vmem>>
        %dma_start3A_111 = arith.constant 0 : i32
        %dma_start3A_112 = arith.constant 0 : i32
        %dma_start3A_113 = tpu.memref_slice %arg9[%dma_start3A_111, %dma_start3A_112] : memref<10000x128xf32, #tpu.memory_space<vmem_shared>> -> memref<10000x128xf32, #tpu.memory_space<vmem_shared>>
        tpu.enqueue_indirect_dma source(%arg7 : memref<128x128xf32, #tpu.memory_space<vmem>>) target(%dma_start3A_113 : memref<10000x128xf32, #tpu.memory_space<vmem_shared>>) offsets(%dma_start3A_110 : memref<128xi32, #tpu.memory_space<vmem>>) semaphore(%run_scoped3A_109 : memref<!tpu.dma_semaphore, #tpu.memory_space<semaphore_mem>>) {add = true}
        %dma_wait3A_114 = tpu.memref_slice %arg6[%mul3A_82] : memref<6144xi32, #tpu.memory_space<vmem>> -> memref<128xi32, #tpu.memory_space<vmem>>
        %dma_wait3A_115 = arith.constant 0 : i32
        %dma_wait3A_116 = arith.constant 0 : i32
        %dma_wait3A_117 = tpu.memref_slice %arg9[%dma_wait3A_115, %dma_wait3A_116] : memref<10000x128xf32, #tpu.memory_space<vmem_shared>> -> memref<10000x128xf32, #tpu.memory_space<vmem_shared>>
        tpu.wait_indirect_dma semaphore(%run_scoped3A_109 : memref<!tpu.dma_semaphore, #tpu.memory_space<semaphore_mem>>) src(%arg7 : memref<128x128xf32, #tpu.memory_space<vmem>>) dst(%dma_wait3A_117 : memref<10000x128xf32, #tpu.memory_space<vmem_shared>>)
        tpu.yield
      }) : () -> ()
      %add3A_83 = arith.constant 2 : i32
      %add3A_84 = arith.addi %add3A_75, %add3A_83 : i32
      %lt3A_85 = arith.constant 30 : i32
      %lt3A_86 = arith.cmpi slt, %add3A_84, %lt3A_85 : i32
      %convert_element_type3A_87 = arith.extui %lt3A_86 : i1 to i32
      %cond3A_88 = arith.constant 0 : i32
      %cond3A_89 = arith.cmpi ne, %convert_element_type3A_87, %cond3A_88 : i32
      scf.if %cond3A_89 {
        %add3A_109 = arith.constant 2 : i32
        %add3A_110 = arith.addi %add3A_75, %add3A_109 : i32
        %mul3A_111 = arith.constant 128 : i32
        %mul3A_112 = arith.muli %add3A_110, %mul3A_111 : i32
        %dma_start3A_113 = tpu.memref_slice %arg5[%mul3A_112] : memref<6144xi32, #tpu.memory_space<vmem>> -> memref<128xi32, #tpu.memory_space<vmem>>
        %dma_start3A_114 = arith.constant 0 : i32
        %dma_start3A_115 = arith.constant 0 : i32
        %dma_start3A_116 = tpu.memref_slice %arg2[%dma_start3A_114, %dma_start3A_115] : memref<10000x128xf32, #tpu.memory_space<hbm>> -> memref<10000x128xf32, #tpu.memory_space<hbm>>
        tpu.enqueue_indirect_dma source(%dma_start3A_116 : memref<10000x128xf32, #tpu.memory_space<hbm>>) target(%arg7 : memref<128x128xf32, #tpu.memory_space<vmem>>) offsets(%dma_start3A_113 : memref<128xi32, #tpu.memory_space<vmem>>) semaphore(%arg10 : memref<!tpu.dma_semaphore, #tpu.memory_space<semaphore_mem>>)
      } else {
      }
      %add3A_90 = arith.constant 1 : i32
      %add3A_91 = arith.addi %add3A_75, %add3A_90 : i32
      %mul3A_92 = arith.constant 128 : i32
      %mul3A_93 = arith.muli %add3A_91, %mul3A_92 : i32
      %dma_wait3A_94 = tpu.memref_slice %arg5[%mul3A_93] : memref<6144xi32, #tpu.memory_space<vmem>> -> memref<128xi32, #tpu.memory_space<vmem>>
      %dma_wait3A_95 = arith.constant 0 : i32
      %dma_wait3A_96 = arith.constant 0 : i32
      %dma_wait3A_97 = tpu.memref_slice %arg2[%dma_wait3A_95, %dma_wait3A_96] : memref<10000x128xf32, #tpu.memory_space<hbm>> -> memref<10000x128xf32, #tpu.memory_space<hbm>>
      tpu.wait_indirect_dma semaphore(%arg11 : memref<!tpu.dma_semaphore, #tpu.memory_space<semaphore_mem>>) src(%dma_wait3A_97 : memref<10000x128xf32, #tpu.memory_space<hbm>>) dst(%arg8 : memref<128x128xf32, #tpu.memory_space<vmem>>)
      %add3A_98 = arith.constant 1 : i32
      %add3A_99 = arith.addi %add3A_75, %add3A_98 : i32
      %mul3A_100 = arith.constant 128 : i32
      %mul3A_101 = arith.muli %add3A_99, %mul3A_100 : i32
      "tpu.region"() ({
        %run_scoped3A_109 = tpu.sem_alloc : memref<!tpu.dma_semaphore, #tpu.memory_space<semaphore_mem>>
        %dma_start3A_110 = tpu.memref_slice %arg6[%mul3A_101] : memref<6144xi32, #tpu.memory_space<vmem>> -> memref<128xi32, #tpu.memory_space<vmem>>
        %dma_start3A_111 = arith.constant 0 : i32
        %dma_start3A_112 = arith.constant 0 : i32
        %dma_start3A_113 = tpu.memref_slice %arg9[%dma_start3A_111, %dma_start3A_112] : memref<10000x128xf32, #tpu.memory_space<vmem_shared>> -> memref<10000x128xf32, #tpu.memory_space<vmem_shared>>
        tpu.enqueue_indirect_dma source(%arg8 : memref<128x128xf32, #tpu.memory_space<vmem>>) target(%dma_start3A_113 : memref<10000x128xf32, #tpu.memory_space<vmem_shared>>) offsets(%dma_start3A_110 : memref<128xi32, #tpu.memory_space<vmem>>) semaphore(%run_scoped3A_109 : memref<!tpu.dma_semaphore, #tpu.memory_space<semaphore_mem>>) {add = true}
        %dma_wait3A_114 = tpu.memref_slice %arg6[%mul3A_101] : memref<6144xi32, #tpu.memory_space<vmem>> -> memref<128xi32, #tpu.memory_space<vmem>>
        %dma_wait3A_115 = arith.constant 0 : i32
        %dma_wait3A_116 = arith.constant 0 : i32
        %dma_wait3A_117 = tpu.memref_slice %arg9[%dma_wait3A_115, %dma_wait3A_116] : memref<10000x128xf32, #tpu.memory_space<vmem_shared>> -> memref<10000x128xf32, #tpu.memory_space<vmem_shared>>
        tpu.wait_indirect_dma semaphore(%run_scoped3A_109 : memref<!tpu.dma_semaphore, #tpu.memory_space<semaphore_mem>>) src(%arg8 : memref<128x128xf32, #tpu.memory_space<vmem>>) dst(%dma_wait3A_117 : memref<10000x128xf32, #tpu.memory_space<vmem_shared>>)
        tpu.yield
      }) : () -> ()
      %add3A_102 = arith.constant 3 : i32
      %add3A_103 = arith.addi %add3A_75, %add3A_102 : i32
      %lt3A_104 = arith.constant 30 : i32
      %lt3A_105 = arith.cmpi slt, %add3A_103, %lt3A_104 : i32
      %convert_element_type3A_106 = arith.extui %lt3A_105 : i1 to i32
      %cond3A_107 = arith.constant 0 : i32
      %cond3A_108 = arith.cmpi ne, %convert_element_type3A_106, %cond3A_107 : i32
      scf.if %cond3A_108 {
        %add3A_109 = arith.constant 3 : i32
        %add3A_110 = arith.addi %add3A_75, %add3A_109 : i32
        %mul3A_111 = arith.constant 128 : i32
        %mul3A_112 = arith.muli %add3A_110, %mul3A_111 : i32
        %dma_start3A_113 = tpu.memref_slice %arg5[%mul3A_112] : memref<6144xi32, #tpu.memory_space<vmem>> -> memref<128xi32, #tpu.memory_space<vmem>>
        %dma_start3A_114 = arith.constant 0 : i32
        %dma_start3A_115 = arith.constant 0 : i32
        %dma_start3A_116 = tpu.memref_slice %arg2[%dma_start3A_114, %dma_start3A_115] : memref<10000x128xf32, #tpu.memory_space<hbm>> -> memref<10000x128xf32, #tpu.memory_space<hbm>>
        tpu.enqueue_indirect_dma source(%dma_start3A_116 : memref<10000x128xf32, #tpu.memory_space<hbm>>) target(%arg8 : memref<128x128xf32, #tpu.memory_space<vmem>>) offsets(%dma_start3A_113 : memref<128xi32, #tpu.memory_space<vmem>>) semaphore(%arg11 : memref<!tpu.dma_semaphore, #tpu.memory_space<semaphore_mem>>)
      } else {
      }
    }
    %scan3A_60 = arith.constant 15 : i32
    %lt3A = arith.constant 2 : i32
    %lt3A_61 = arith.cmpi slt, %arg1, %lt3A : i32
    %convert_element_type3A_62 = arith.extui %lt3A_61 : i1 to i32
    %cond3A_63 = arith.constant 0 : i32
    %cond3A_64 = arith.cmpi ne, %convert_element_type3A_62, %cond3A_63 : i32
    scf.if %cond3A_64 {
      %mul3A_71 = arith.constant 2 : i32
      %mul3A_72 = arith.muli %arg0, %mul3A_71 : i32
      %add3A_73 = arith.addi %mul3A_72, %arg1 : i32
      %mul3A_74 = arith.constant 128 : i32
      %mul3A_75 = arith.muli %add3A_73, %mul3A_74 : i32
      %add3A_76 = arith.constant 319488 : i32
      %add3A_77 = arith.addi %add3A_76, %mul3A_75 : i32
      %run_scoped3A_78 = arith.constant 0 : i32
      "tpu.region"() ({
        %run_scoped3A_89 = tpu.sem_alloc : memref<!tpu.dma_semaphore, #tpu.memory_space<semaphore_mem>>
        %dma_start3A_90 = arith.constant 0 : i32
        %dma_start3A_91 = tpu.memref_slice %arg5[%dma_start3A_90] : memref<6144xi32, #tpu.memory_space<vmem>> -> memref<128xi32, #tpu.memory_space<vmem>>
        %dma_start3A_92 = arith.constant 0 : i32
        %dma_start3A_93 = tpu.memref_slice %arg3[%run_scoped3A_78, %dma_start3A_92] : memref<2x320000xi32, #tpu.memory_space<hbm>> -> memref<1x320000xi32, #tpu.memory_space<hbm>>
        %dma_start3A_94 = tpu.memref_squeeze %dma_start3A_93 : memref<1x320000xi32, #tpu.memory_space<hbm>> -> memref<320000xi32, #tpu.memory_space<hbm>>
        %dma_start3A_95 = tpu.memref_slice %dma_start3A_94[%add3A_77] : memref<320000xi32, #tpu.memory_space<hbm>> -> memref<128xi32, #tpu.memory_space<hbm>>
        %dma_start3A_96 = arith.constant 0 : i32
        %dma_start3A_97 = tpu.memref_slice %arg5[%dma_start3A_96] : memref<6144xi32, #tpu.memory_space<vmem>> -> memref<128xi32, #tpu.memory_space<vmem>>
        %dma_start3A_98 = arith.constant 0 : i32
        %dma_start3A_99 = tpu.memref_slice %arg3[%run_scoped3A_78, %dma_start3A_98] : memref<2x320000xi32, #tpu.memory_space<hbm>> -> memref<1x320000xi32, #tpu.memory_space<hbm>>
        %dma_start3A_100 = tpu.memref_squeeze %dma_start3A_99 : memref<1x320000xi32, #tpu.memory_space<hbm>> -> memref<320000xi32, #tpu.memory_space<hbm>>
        %dma_start3A_101 = tpu.memref_slice %dma_start3A_100[%add3A_77] : memref<320000xi32, #tpu.memory_space<hbm>> -> memref<128xi32, #tpu.memory_space<hbm>>
        tpu.enqueue_dma source(%dma_start3A_101 : memref<128xi32, #tpu.memory_space<hbm>>) target(%dma_start3A_97 : memref<128xi32, #tpu.memory_space<vmem>>) target_semaphore(%run_scoped3A_89 : memref<!tpu.dma_semaphore, #tpu.memory_space<semaphore_mem>>)
        %dma_wait3A_102 = arith.constant 0 : i32
        %dma_wait3A_103 = tpu.memref_slice %arg5[%dma_wait3A_102] : memref<6144xi32, #tpu.memory_space<vmem>> -> memref<128xi32, #tpu.memory_space<vmem>>
        %dma_wait3A_104 = arith.constant 0 : i32
        %dma_wait3A_105 = tpu.memref_slice %arg3[%run_scoped3A_78, %dma_wait3A_104] : memref<2x320000xi32, #tpu.memory_space<hbm>> -> memref<1x320000xi32, #tpu.memory_space<hbm>>
        %dma_wait3A_106 = tpu.memref_squeeze %dma_wait3A_105 : memref<1x320000xi32, #tpu.memory_space<hbm>> -> memref<320000xi32, #tpu.memory_space<hbm>>
        %dma_wait3A_107 = tpu.memref_slice %dma_wait3A_106[%add3A_77] : memref<320000xi32, #tpu.memory_space<hbm>> -> memref<128xi32, #tpu.memory_space<hbm>>
        %dma_wait3A_108 = arith.constant 0 : i32
        %dma_wait3A_109 = tpu.memref_slice %arg5[%dma_wait3A_108] : memref<6144xi32, #tpu.memory_space<vmem>> -> memref<128xi32, #tpu.memory_space<vmem>>
        %dma_wait3A_110 = arith.constant 0 : i32
        %dma_wait3A_111 = tpu.memref_slice %arg3[%run_scoped3A_78, %dma_wait3A_110] : memref<2x320000xi32, #tpu.memory_space<hbm>> -> memref<1x320000xi32, #tpu.memory_space<hbm>>
        %dma_wait3A_112 = tpu.memref_squeeze %dma_wait3A_111 : memref<1x320000xi32, #tpu.memory_space<hbm>> -> memref<320000xi32, #tpu.memory_space<hbm>>
        %dma_wait3A_113 = tpu.memref_slice %dma_wait3A_112[%add3A_77] : memref<320000xi32, #tpu.memory_space<hbm>> -> memref<128xi32, #tpu.memory_space<hbm>>
        tpu.wait_dma2 semaphore(%run_scoped3A_89 : memref<!tpu.dma_semaphore, #tpu.memory_space<semaphore_mem>>) src(%dma_wait3A_113 : memref<128xi32, #tpu.memory_space<hbm>>) dst(%dma_wait3A_109 : memref<128xi32, #tpu.memory_space<vmem>>)
        tpu.yield
      }) : () -> ()
      %run_scoped3A_79 = arith.constant 1 : i32
      "tpu.region"() ({
        %run_scoped3A_89 = tpu.sem_alloc : memref<!tpu.dma_semaphore, #tpu.memory_space<semaphore_mem>>
        %dma_start3A_90 = arith.constant 0 : i32
        %dma_start3A_91 = tpu.memref_slice %arg6[%dma_start3A_90] : memref<6144xi32, #tpu.memory_space<vmem>> -> memref<128xi32, #tpu.memory_space<vmem>>
        %dma_start3A_92 = arith.constant 0 : i32
        %dma_start3A_93 = tpu.memref_slice %arg3[%run_scoped3A_79, %dma_start3A_92] : memref<2x320000xi32, #tpu.memory_space<hbm>> -> memref<1x320000xi32, #tpu.memory_space<hbm>>
        %dma_start3A_94 = tpu.memref_squeeze %dma_start3A_93 : memref<1x320000xi32, #tpu.memory_space<hbm>> -> memref<320000xi32, #tpu.memory_space<hbm>>
        %dma_start3A_95 = tpu.memref_slice %dma_start3A_94[%add3A_77] : memref<320000xi32, #tpu.memory_space<hbm>> -> memref<128xi32, #tpu.memory_space<hbm>>
        %dma_start3A_96 = arith.constant 0 : i32
        %dma_start3A_97 = tpu.memref_slice %arg6[%dma_start3A_96] : memref<6144xi32, #tpu.memory_space<vmem>> -> memref<128xi32, #tpu.memory_space<vmem>>
        %dma_start3A_98 = arith.constant 0 : i32
        %dma_start3A_99 = tpu.memref_slice %arg3[%run_scoped3A_79, %dma_start3A_98] : memref<2x320000xi32, #tpu.memory_space<hbm>> -> memref<1x320000xi32, #tpu.memory_space<hbm>>
        %dma_start3A_100 = tpu.memref_squeeze %dma_start3A_99 : memref<1x320000xi32, #tpu.memory_space<hbm>> -> memref<320000xi32, #tpu.memory_space<hbm>>
        %dma_start3A_101 = tpu.memref_slice %dma_start3A_100[%add3A_77] : memref<320000xi32, #tpu.memory_space<hbm>> -> memref<128xi32, #tpu.memory_space<hbm>>
        tpu.enqueue_dma source(%dma_start3A_101 : memref<128xi32, #tpu.memory_space<hbm>>) target(%dma_start3A_97 : memref<128xi32, #tpu.memory_space<vmem>>) target_semaphore(%run_scoped3A_89 : memref<!tpu.dma_semaphore, #tpu.memory_space<semaphore_mem>>)
        %dma_wait3A_102 = arith.constant 0 : i32
        %dma_wait3A_103 = tpu.memref_slice %arg6[%dma_wait3A_102] : memref<6144xi32, #tpu.memory_space<vmem>> -> memref<128xi32, #tpu.memory_space<vmem>>
        %dma_wait3A_104 = arith.constant 0 : i32
        %dma_wait3A_105 = tpu.memref_slice %arg3[%run_scoped3A_79, %dma_wait3A_104] : memref<2x320000xi32, #tpu.memory_space<hbm>> -> memref<1x320000xi32, #tpu.memory_space<hbm>>
        %dma_wait3A_106 = tpu.memref_squeeze %dma_wait3A_105 : memref<1x320000xi32, #tpu.memory_space<hbm>> -> memref<320000xi32, #tpu.memory_space<hbm>>
        %dma_wait3A_107 = tpu.memref_slice %dma_wait3A_106[%add3A_77] : memref<320000xi32, #tpu.memory_space<hbm>> -> memref<128xi32, #tpu.memory_space<hbm>>
        %dma_wait3A_108 = arith.constant 0 : i32
        %dma_wait3A_109 = tpu.memref_slice %arg6[%dma_wait3A_108] : memref<6144xi32, #tpu.memory_space<vmem>> -> memref<128xi32, #tpu.memory_space<vmem>>
        %dma_wait3A_110 = arith.constant 0 : i32
        %dma_wait3A_111 = tpu.memref_slice %arg3[%run_scoped3A_79, %dma_wait3A_110] : memref<2x320000xi32, #tpu.memory_space<hbm>> -> memref<1x320000xi32, #tpu.memory_space<hbm>>
        %dma_wait3A_112 = tpu.memref_squeeze %dma_wait3A_111 : memref<1x320000xi32, #tpu.memory_space<hbm>> -> memref<320000xi32, #tpu.memory_space<hbm>>
        %dma_wait3A_113 = tpu.memref_slice %dma_wait3A_112[%add3A_77] : memref<320000xi32, #tpu.memory_space<hbm>> -> memref<128xi32, #tpu.memory_space<hbm>>
        tpu.wait_dma2 semaphore(%run_scoped3A_89 : memref<!tpu.dma_semaphore, #tpu.memory_space<semaphore_mem>>) src(%dma_wait3A_113 : memref<128xi32, #tpu.memory_space<hbm>>) dst(%dma_wait3A_109 : memref<128xi32, #tpu.memory_space<vmem>>)
        tpu.yield
      }) : () -> ()
      %dma_start3A_80 = arith.constant 0 : i32
      %dma_start3A_81 = tpu.memref_slice %arg5[%dma_start3A_80] : memref<6144xi32, #tpu.memory_space<vmem>> -> memref<128xi32, #tpu.memory_space<vmem>>
      %dma_start3A_82 = arith.constant 0 : i32
      %dma_start3A_83 = arith.constant 0 : i32
      %dma_start3A_84 = tpu.memref_slice %arg2[%dma_start3A_82, %dma_start3A_83] : memref<10000x128xf32, #tpu.memory_space<hbm>> -> memref<10000x128xf32, #tpu.memory_space<hbm>>
      tpu.enqueue_indirect_dma source(%dma_start3A_84 : memref<10000x128xf32, #tpu.memory_space<hbm>>) target(%arg7 : memref<128x128xf32, #tpu.memory_space<vmem>>) offsets(%dma_start3A_81 : memref<128xi32, #tpu.memory_space<vmem>>) semaphore(%arg10 : memref<!tpu.dma_semaphore, #tpu.memory_space<semaphore_mem>>)
      %dma_wait3A = arith.constant 0 : i32
      %dma_wait3A_85 = tpu.memref_slice %arg5[%dma_wait3A] : memref<6144xi32, #tpu.memory_space<vmem>> -> memref<128xi32, #tpu.memory_space<vmem>>
      %dma_wait3A_86 = arith.constant 0 : i32
      %dma_wait3A_87 = arith.constant 0 : i32
      %dma_wait3A_88 = tpu.memref_slice %arg2[%dma_wait3A_86, %dma_wait3A_87] : memref<10000x128xf32, #tpu.memory_space<hbm>> -> memref<10000x128xf32, #tpu.memory_space<hbm>>
      tpu.wait_indirect_dma semaphore(%arg10 : memref<!tpu.dma_semaphore, #tpu.memory_space<semaphore_mem>>) src(%dma_wait3A_88 : memref<10000x128xf32, #tpu.memory_space<hbm>>) dst(%arg7 : memref<128x128xf32, #tpu.memory_space<vmem>>)
      "tpu.region"() ({
        %run_scoped3A_89 = tpu.sem_alloc : memref<!tpu.dma_semaphore, #tpu.memory_space<semaphore_mem>>
        %dma_start3A_90 = arith.constant 0 : i32
        %dma_start3A_91 = tpu.memref_slice %arg6[%dma_start3A_90] : memref<6144xi32, #tpu.memory_space<vmem>> -> memref<128xi32, #tpu.memory_space<vmem>>
        %dma_start3A_92 = arith.constant 0 : i32
        %dma_start3A_93 = arith.constant 0 : i32
        %dma_start3A_94 = tpu.memref_slice %arg9[%dma_start3A_92, %dma_start3A_93] : memref<10000x128xf32, #tpu.memory_space<vmem_shared>> -> memref<10000x128xf32, #tpu.memory_space<vmem_shared>>
        tpu.enqueue_indirect_dma source(%arg7 : memref<128x128xf32, #tpu.memory_space<vmem>>) target(%dma_start3A_94 : memref<10000x128xf32, #tpu.memory_space<vmem_shared>>) offsets(%dma_start3A_91 : memref<128xi32, #tpu.memory_space<vmem>>) semaphore(%run_scoped3A_89 : memref<!tpu.dma_semaphore, #tpu.memory_space<semaphore_mem>>) {add = true}
        %dma_wait3A_95 = arith.constant 0 : i32
        %dma_wait3A_96 = tpu.memref_slice %arg6[%dma_wait3A_95] : memref<6144xi32, #tpu.memory_space<vmem>> -> memref<128xi32, #tpu.memory_space<vmem>>
        %dma_wait3A_97 = arith.constant 0 : i32
        %dma_wait3A_98 = arith.constant 0 : i32
        %dma_wait3A_99 = tpu.memref_slice %arg9[%dma_wait3A_97, %dma_wait3A_98] : memref<10000x128xf32, #tpu.memory_space<vmem_shared>> -> memref<10000x128xf32, #tpu.memory_space<vmem_shared>>
        tpu.wait_indirect_dma semaphore(%run_scoped3A_89 : memref<!tpu.dma_semaphore, #tpu.memory_space<semaphore_mem>>) src(%arg7 : memref<128x128xf32, #tpu.memory_space<vmem>>) dst(%dma_wait3A_99 : memref<10000x128xf32, #tpu.memory_space<vmem_shared>>)
        tpu.yield
      }) : () -> ()
    } else {
    }
    %barrier3A_65 = arith.constant 0 : index
    tpu.barrier barrier_id(%barrier3A_65)
    "tpu.region"() ({
      %run_scoped3A_71 = tpu.sem_alloc : memref<!tpu.dma_semaphore, #tpu.memory_space<semaphore_mem>>
      %dma_start3A_72 = arith.constant 0 : i32
      %dma_start3A_73 = arith.constant 0 : i32
      %dma_start3A_74 = tpu.memref_slice %arg4[%arg0, %dma_start3A_72, %dma_start3A_73] : memref<2x10000x128xf32, #tpu.memory_space<hbm>> -> memref<1x10000x128xf32, #tpu.memory_space<hbm>>
      %dma_start3A_75 = tpu.memref_squeeze %dma_start3A_74 : memref<1x10000x128xf32, #tpu.memory_space<hbm>> -> memref<10000x128xf32, #tpu.memory_space<hbm>>
      %dma_start3A_76 = arith.constant 0 : i32
      %dma_start3A_77 = tpu.memref_slice %dma_start3A_75[%mul3A_6, %dma_start3A_76] : memref<10000x128xf32, #tpu.memory_space<hbm>> -> memref<624x128xf32, #tpu.memory_space<hbm>>
      %dma_start3A_78 = arith.constant 0 : i32
      %dma_start3A_79 = tpu.memref_slice %arg9[%mul3A_6, %dma_start3A_78] : memref<10000x128xf32, #tpu.memory_space<vmem_shared>> -> memref<624x128xf32, #tpu.memory_space<vmem_shared>>
      tpu.enqueue_dma source(%dma_start3A_79 : memref<624x128xf32, #tpu.memory_space<vmem_shared>>) target(%dma_start3A_77 : memref<624x128xf32, #tpu.memory_space<hbm>>) target_semaphore(%run_scoped3A_71 : memref<!tpu.dma_semaphore, #tpu.memory_space<semaphore_mem>>)
      %dma_wait3A = arith.constant 0 : i32
      %dma_wait3A_80 = arith.constant 0 : i32
      %dma_wait3A_81 = tpu.memref_slice %arg4[%arg0, %dma_wait3A, %dma_wait3A_80] : memref<2x10000x128xf32, #tpu.memory_space<hbm>> -> memref<1x10000x128xf32, #tpu.memory_space<hbm>>
      %dma_wait3A_82 = tpu.memref_squeeze %dma_wait3A_81 : memref<1x10000x128xf32, #tpu.memory_space<hbm>> -> memref<10000x128xf32, #tpu.memory_space<hbm>>
      %dma_wait3A_83 = arith.constant 0 : i32
      %dma_wait3A_84 = tpu.memref_slice %dma_wait3A_82[%mul3A_6, %dma_wait3A_83] : memref<10000x128xf32, #tpu.memory_space<hbm>> -> memref<624x128xf32, #tpu.memory_space<hbm>>
      %dma_wait3A_85 = arith.constant 0 : i32
      %dma_wait3A_86 = tpu.memref_slice %arg9[%mul3A_6, %dma_wait3A_85] : memref<10000x128xf32, #tpu.memory_space<vmem_shared>> -> memref<624x128xf32, #tpu.memory_space<vmem_shared>>
      tpu.wait_dma2 semaphore(%run_scoped3A_71 : memref<!tpu.dma_semaphore, #tpu.memory_space<semaphore_mem>>) src(%dma_wait3A_86 : memref<624x128xf32, #tpu.memory_space<vmem_shared>>) dst(%dma_wait3A_84 : memref<624x128xf32, #tpu.memory_space<hbm>>)
      tpu.yield
    }) : () -> ()
    %eq3A_66 = arith.constant 15 : i32
    %eq3A_67 = arith.cmpi eq, %arg1, %eq3A_66 : i32
    %convert_element_type3A_68 = arith.extui %eq3A_67 : i1 to i32
    %cond3A_69 = arith.constant 0 : i32
    %cond3A_70 = arith.cmpi ne, %convert_element_type3A_68, %cond3A_69 : i32
    scf.if %cond3A_70 {
      "tpu.region"() ({
        %run_scoped3A_71 = tpu.sem_alloc : memref<!tpu.dma_semaphore, #tpu.memory_space<semaphore_mem>>
        %dma_start3A_72 = arith.constant 0 : i32
        %dma_start3A_73 = arith.constant 0 : i32
        %dma_start3A_74 = tpu.memref_slice %arg4[%arg0, %dma_start3A_72, %dma_start3A_73] : memref<2x10000x128xf32, #tpu.memory_space<hbm>> -> memref<1x10000x128xf32, #tpu.memory_space<hbm>>
        %dma_start3A_75 = tpu.memref_squeeze %dma_start3A_74 : memref<1x10000x128xf32, #tpu.memory_space<hbm>> -> memref<10000x128xf32, #tpu.memory_space<hbm>>
        %dma_start3A_76 = arith.constant 9984 : i32
        %dma_start3A_77 = arith.constant 0 : i32
        %dma_start3A_78 = tpu.memref_slice %dma_start3A_75[%dma_start3A_76, %dma_start3A_77] : memref<10000x128xf32, #tpu.memory_space<hbm>> -> memref<16x128xf32, #tpu.memory_space<hbm>>
        %dma_start3A_79 = arith.constant 9984 : i32
        %dma_start3A_80 = arith.constant 0 : i32
        %dma_start3A_81 = tpu.memref_slice %arg9[%dma_start3A_79, %dma_start3A_80] : memref<10000x128xf32, #tpu.memory_space<vmem_shared>> -> memref<16x128xf32, #tpu.memory_space<vmem_shared>>
        tpu.enqueue_dma source(%dma_start3A_81 : memref<16x128xf32, #tpu.memory_space<vmem_shared>>) target(%dma_start3A_78 : memref<16x128xf32, #tpu.memory_space<hbm>>) target_semaphore(%run_scoped3A_71 : memref<!tpu.dma_semaphore, #tpu.memory_space<semaphore_mem>>)
        %dma_wait3A = arith.constant 0 : i32
        %dma_wait3A_82 = arith.constant 0 : i32
        %dma_wait3A_83 = tpu.memref_slice %arg4[%arg0, %dma_wait3A, %dma_wait3A_82] : memref<2x10000x128xf32, #tpu.memory_space<hbm>> -> memref<1x10000x128xf32, #tpu.memory_space<hbm>>
        %dma_wait3A_84 = tpu.memref_squeeze %dma_wait3A_83 : memref<1x10000x128xf32, #tpu.memory_space<hbm>> -> memref<10000x128xf32, #tpu.memory_space<hbm>>
        %dma_wait3A_85 = arith.constant 9984 : i32
        %dma_wait3A_86 = arith.constant 0 : i32
        %dma_wait3A_87 = tpu.memref_slice %dma_wait3A_84[%dma_wait3A_85, %dma_wait3A_86] : memref<10000x128xf32, #tpu.memory_space<hbm>> -> memref<16x128xf32, #tpu.memory_space<hbm>>
        %dma_wait3A_88 = arith.constant 9984 : i32
        %dma_wait3A_89 = arith.constant 0 : i32
        %dma_wait3A_90 = tpu.memref_slice %arg9[%dma_wait3A_88, %dma_wait3A_89] : memref<10000x128xf32, #tpu.memory_space<vmem_shared>> -> memref<16x128xf32, #tpu.memory_space<vmem_shared>>
        tpu.wait_dma2 semaphore(%run_scoped3A_71 : memref<!tpu.dma_semaphore, #tpu.memory_space<semaphore_mem>>) src(%dma_wait3A_90 : memref<16x128xf32, #tpu.memory_space<vmem_shared>>) dst(%dma_wait3A_87 : memref<16x128xf32, #tpu.memory_space<hbm>>)
        tpu.yield
      }) : () -> ()
    } else {
    }
    return
  }
}

module attributes {stable_mosaic.version = 14 : i64} {
  func.func @_epilogue_body(%arg0: i32, %arg1: memref<2x5000x128xf32, #tpu.memory_space<vmem>>, %arg2: memref<5000x1xf32, #tpu.memory_space<vmem>>, %arg3: memref<5000x128xf32, #tpu.memory_space<vmem>>) attributes {dimension_semantics = [#tpu.dimension_semantics<arbitrary>], iteration_bounds = array<i64: 2>, scalar_prefetch = 0 : i64, scratch_operands = 0 : i64, tpu.core_type = #tpu.core_type<tc>, window_params = [{transform_indices = @transform_0, window_bounds = array<i64: 2, 5000, 128>}, {transform_indices = @transform_1, window_bounds = array<i64: 5000, 1>}, {transform_indices = @transform_2, window_bounds = array<i64: 5000, 128>}]} {
    %get3A = arith.constant 0 : index
    %get3A_0 = arith.constant 0 : index
    %get3A_1 = arith.constant 0 : index
    %get3A_2 = vector.load %arg1[%get3A, %get3A_0, %get3A_1] : memref<2x5000x128xf32, #tpu.memory_space<vmem>>, vector<1x5000x128xf32>
    %get3A_3 = vector.shape_cast %get3A_2 : vector<1x5000x128xf32> to vector<5000x128xf32>
    %get3A_4 = arith.constant 1 : index
    %get3A_5 = arith.constant 0 : index
    %get3A_6 = arith.constant 0 : index
    %get3A_7 = vector.load %arg1[%get3A_4, %get3A_5, %get3A_6] : memref<2x5000x128xf32, #tpu.memory_space<vmem>>, vector<1x5000x128xf32>
    %get3A_8 = vector.shape_cast %get3A_7 : vector<1x5000x128xf32> to vector<5000x128xf32>
    %add3A = arith.addf %get3A_3, %get3A_8 : vector<5000x128xf32>
    %get3A_9 = arith.constant 0 : index
    %get3A_10 = arith.constant 0 : index
    %get3A_11 = vector.load %arg2[%get3A_9, %get3A_10] : memref<5000x1xf32, #tpu.memory_space<vmem>>, vector<5000x1xf32>
    %mul3A = vector.broadcast %get3A_11 : vector<5000x1xf32> to vector<5000x128xf32>
    %mul3A_12 = arith.mulf %add3A, %mul3A : vector<5000x128xf32>
    %swap3A = arith.constant 0 : index
    %swap3A_13 = arith.constant 0 : index
    %swap3A_14 = vector.load %arg3[%swap3A, %swap3A_13] : memref<5000x128xf32, #tpu.memory_space<vmem>>, vector<5000x128xf32>
    tpu.vector_store %arg3[%swap3A, %swap3A_13], %mul3A_12 {strides = array<i32>} : memref<5000x128xf32, #tpu.memory_space<vmem>>, vector<5000x128xf32>,
    return
  }
  func.func @transform_0(%arg0: i32) -> (i32, i32, i32) {
    %c0_i32 = arith.constant 0 : i32
    %c0_i32_0 = arith.constant 0 : i32
    %c0_i32_1 = arith.constant 0 : i32
    return %c0_i32, %arg0, %c0_i32_0 : i32, i32, i32
  }
  func.func @transform_1(%arg0: i32) -> (i32, i32) {
    %c0_i32 = arith.constant 0 : i32
    %c0_i32_0 = arith.constant 0 : i32
    return %arg0, %c0_i32 : i32, i32
  }
  func.func @transform_2(%arg0: i32) -> (i32, i32) {
    %c0_i32 = arith.constant 0 : i32
    %c0_i32_0 = arith.constant 0 : i32
    return %arg0, %c0_i32 : i32, i32
  }
}

module attributes {stable_mosaic.version = 14 : i64} {
  func.func @_prologue_body(%arg0: i32, %arg1: memref<5000x128xf32, #tpu.memory_space<vmem>>, %arg2: memref<5000x1xf32, #tpu.memory_space<vmem>>, %arg3: memref<128x128xf32, #tpu.memory_space<vmem>>, %arg4: memref<5000x128xf32, #tpu.memory_space<vmem>>) attributes {dimension_semantics = [#tpu.dimension_semantics<arbitrary>], iteration_bounds = array<i64: 2>, scalar_prefetch = 0 : i64, scratch_operands = 0 : i64, tpu.core_type = #tpu.core_type<tc>, window_params = [{transform_indices = @transform_0, window_bounds = array<i64: 5000, 128>}, {transform_indices = @transform_1, window_bounds = array<i64: 5000, 1>}, {pipeline_mode = #tpu.pipeline_mode<synchronous>, transform_indices = @transform_2, window_bounds = array<i64: 128, 128>}, {transform_indices = @transform_3, window_bounds = array<i64: 5000, 128>}]} {
    %get3A = arith.constant 0 : index
    %get3A_0 = arith.constant 0 : index
    %get3A_1 = vector.load %arg1[%get3A, %get3A_0] : memref<5000x128xf32, #tpu.memory_space<vmem>>, vector<5000x128xf32>
    %get3A_2 = arith.constant 0 : index
    %get3A_3 = arith.constant 0 : index
    %get3A_4 = vector.load %arg2[%get3A_2, %get3A_3] : memref<5000x1xf32, #tpu.memory_space<vmem>>, vector<5000x1xf32>
    %mul3A = vector.broadcast %get3A_4 : vector<5000x1xf32> to vector<5000x128xf32>
    %mul3A_5 = arith.mulf %get3A_1, %mul3A : vector<5000x128xf32>
    %get3A_6 = arith.constant 0 : index
    %get3A_7 = arith.constant 0 : index
    %get3A_8 = vector.load %arg3[%get3A_6, %get3A_7] : memref<128x128xf32, #tpu.memory_space<vmem>>, vector<128x128xf32>
    %dot_general3A = arith.constant dense<0.000000e+00> : vector<5000x128xf32>
    %dot_general3A_9 = tpu.matmul %mul3A_5, %get3A_8, %dot_general3A {dimension_numbers = #tpu.dot_dimension_numbers<[1], [0], [0], [1], [0, 0, 1, 1], [], []>, transpose_lhs_hint = false} : vector<5000x128xf32>, vector<128x128xf32>, vector<5000x128xf32> -> vector<5000x128xf32>
    %swap3A = arith.constant 0 : index
    %swap3A_10 = arith.constant 0 : index
    %swap3A_11 = vector.load %arg4[%swap3A, %swap3A_10] : memref<5000x128xf32, #tpu.memory_space<vmem>>, vector<5000x128xf32>
    tpu.vector_store %arg4[%swap3A, %swap3A_10], %dot_general3A_9 {strides = array<i32>} : memref<5000x128xf32, #tpu.memory_space<vmem>>, vector<5000x128xf32>,
    return
  }
  func.func @transform_0(%arg0: i32) -> (i32, i32) {
    %c0_i32 = arith.constant 0 : i32
    %c0_i32_0 = arith.constant 0 : i32
    return %arg0, %c0_i32 : i32, i32
  }
  func.func @transform_1(%arg0: i32) -> (i32, i32) {
    %c0_i32 = arith.constant 0 : i32
    %c0_i32_0 = arith.constant 0 : i32
    return %arg0, %c0_i32 : i32, i32
  }
  func.func @transform_2(%arg0: i32) -> (i32, i32) {
    %c0_i32 = arith.constant 0 : i32
    %c0_i32_0 = arith.constant 0 : i32
    %c0_i32_1 = arith.constant 0 : i32
    return %c0_i32, %c0_i32_0 : i32, i32
  }
  func.func @transform_3(%arg0: i32) -> (i32, i32) {
    %c0_i32 = arith.constant 0 : i32
    %c0_i32_0 = arith.constant 0 : i32
    return %arg0, %c0_i32 : i32, i32
  }
}

</mosaic_0001>

<sc_bundles>
// kernel: kernel.5.cloned.1.call-start
scs
__scs_entry_jumppad:
0x0: {  	(pc) =	sbr.rel $0x88, $3  }
0x1: {  	(tag) =	ssettag $0x0;
	lr =	simm.s32 $0x1  }
0x2: {  	[smem:$0x3F9C] =	sst lr;
	_ =	strace $0xD0000000  }
0x3: {  	_ = 	snop  }
0x4: {  	_ = 	snop  }
0x5: {  	_ = 	snop  }
0x6: {  	_ = 	snop  }
0x7: {  	_ = 	snop  }
__scs_overlays_trampoline_lowered:
0x8: {  	[smem:$0x3FAB] =	sst s0  }
0x9: {  	[smem:$0x3FAC] =	sst s1  }
0xa: {  	[smem:$0x3FAD] =	sst s2  }
0xb: {  	[smem:$0x3FAE] =	sst s3  }
0xc: {  	[smem:$0x3FAF] =	sst s4  }
0xd: {  	[smem:$0x3FB0] =	sst s5  }
0xe: {  	[smem:$0x3FB1] =	sst s6  }
0xf: {  	[smem:$0x3FB2] =	sst s7  }
0x10: {  	[smem:$0x3FB3] =	sst s8  }
0x11: {  	[smem:$0x3FB4] =	sst s9;
	s0 =	simm.s32 @!p0 $0x0  }
0x12: {  	s1 =	sld [smem:$0x3F9A];
	s0 =	simm.s32 @p0 $0x1  }
0x13: {  	[smem:$0x3FB5] =	sst s0;
	s0 =	simm.s32 @!p1 $0x0  }
0x14: {  	s2 =	sld [smem:$0x3F99];
	s0 =	simm.s32 @p1 $0x1  }
0x15: {  	[smem:$0x3FB6] =	sst s0;
	s0 =	simm.s32 @!p2 $0x0  }
0x16: {  	s3 =	sld [smem:$0x3FDB];
	s0 =	simm.s32 @p2 $0x1  }
0x17: {  	s4 =	simm.s32 $0x1BF5;
	[smem:$0x3FB8] =	sst s0  }
0x18: {  	s0 =	sld [smem:$0x3F9B];
	_ =	swait.ge [sflag:s4], $0x0  }
0x19: {  	s7 =	sld [smem:$0x3F9C]  }
0x1a: {  	s8 =	sadd.s32 $0xFFFFE003, lr  }
0x1b: {  	s9 =	sadd.s32 $0xFFFFFEF7, lr;
	s5 =	simm.s32 $0xFFFFFFFF;
	p2 =	slt.u32 s8, $0xFFFFF086  }
0x1c: {  	p1 =	slt.u32 s9, $0xF7A;
	s5 =	simm.s32 @!p2 $0x0  }
0x1d: {  	s5 =	simm.s32 @p1 $0x1;
	p0 =	seq.s32 s7, s2  }
0x1e: {  	s7 =	smul.u32 @!p0 $0xF7A, s2;
	p2 =	seq.s32 @!p0 s5, $0x0  }
0x1f: {  	s9 =	smul.u32 $0xF7A, s1;
	s8 =	simm.s32 @!p0 $0x1BF5;
	p2 =	por !p2, p0  }
0x20: {  	[sflag:s8] =	ssyncset.s32 @!p0 $0xFFFFF086;
	s6 =	sadd.s32 @!p0 s3, s7;
	s7 =	simm.s32 @!p0 $0x108  }
0x21: {  	s3 =	sadd.s32 s3, s9;
	s6 =	sadd.s32 @!p0 $0x88, s6;
	s7 =	simm.s32 @p2 $0x1082  }
0x22: {  	[simem:s7], [sflag:s8] =	dma.local @!p0 [hbm:s6], $0xF7A  }
0x23: {  	s9 =	sor.u32 $0xD0000000, s2;
	s6 =	simm.s32 $0x108;
	_ =	swait.ge @!p0 [sflag:s8], $0x0  }
0x24: {  	s3 =	sadd.s32 $0x88, s3;
	s6 =	simm.s32 @!p1 $0x1082;
	[sflag:s4] =	ssyncset.s32 $0xFFFFF086  }
0x25: {  	[simem:s6], [sflag:s4] =	dma.local [hbm:s3], $0xF7A  }
0x26: {  	[smem:$0x3F9C] =	sst s1;
	(tag) =	ssettag s2;
	_ =	strace s9  }
0x27: {  	s1 =	sld [smem:$0x3FAC]  }
0x28: {  	s2 =	sld [smem:$0x3FAD]  }
0x29: {  	s4 =	sld [smem:$0x3FAF]  }
0x2a: {  	p0 =	seq.s32 s5, $0x0;
	s5 =	sld [smem:$0x3FB0]  }
0x2b: {  	s6 =	sld [smem:$0x3FB1]  }
0x2c: {  	s7 =	sld [smem:$0x3FB2]  }
0x2d: {  	s3 =	simm.s32 $0x108;
	s8 =	sld [smem:$0x3FB3]  }
0x2e: {  	s3 =	simm.s32 @!p0 $0x1082;
	s9 =	sld [smem:$0x3FB4]  }
0x2f: {  	lr =	sadd.s32 s0, s3;
	s0 =	sld [smem:$0x3FAB]  }
0x30: {  	s3 =	sld [smem:$0x3FAE]  }
0x31: {  	[smem:$0x3FB7] =	sst s10  }
0x32: {  	s10 =	sld [smem:$0x3FB5];
	_ =	sdelay $0x3  }
0x33: {  	p0 =	seq.s32 s10, $0x1;
	s10 =	sld [smem:$0x3FB7];
	_ =	sdelay $0x3  }
0x34: {  	[smem:$0x3FB7] =	sst s10  }
0x35: {  	s10 =	sld [smem:$0x3FB6];
	_ =	sdelay $0x3  }
0x36: {  	p1 =	seq.s32 s10, $0x1;
	s10 =	sld [smem:$0x3FB7];
	_ =	sdelay $0x3  }
0x37: {  	[smem:$0x3FB7] =	sst s10  }
0x38: {  	s10 =	sld [smem:$0x3FB8]  }
0x39: {  	_ = 	snop;
	(pc) =	sbr.ind lr, $3  }
0x3a: {  	_ = 	snop  }
0x3b: {  	_ = 	snop  }
0x3c: {  	p2 =	seq.s32 s10, $0x1;
	s10 =	sld [smem:$0x3FB7]  }
0x3d: {  	_ =	shalt  }
0x3e: {  	_ =	shalt  }
0x3f: {  	_ =	shalt  }
0x40: {  	_ =	shalt  }
0x41: {  	_ =	shalt  }
0x42: {  	_ =	shalt  }
0x43: {  	_ =	shalt  }
0x44: {  	_ =	shalt  }
0x45: {  	_ =	shalt  }
0x46: {  	_ =	shalt  }
0x47: {  	_ =	shalt  }
0x48: {  	_ =	shalt  }
0x49: {  	_ =	shalt  }
0x4a: {  	_ =	shalt  }
0x4b: {  	_ =	shalt  }
0x4c: {  	_ =	shalt  }
0x4d: {  	_ =	shalt  }
0x4e: {  	_ =	shalt  }
0x4f: {  	_ =	shalt  }
0x50: {  	_ =	shalt  }
0x51: {  	_ =	shalt  }
0x52: {  	_ =	shalt  }
0x53: {  	_ =	shalt  }
0x54: {  	_ =	shalt  }
0x55: {  	_ =	shalt  }
0x56: {  	_ =	shalt  }
0x57: {  	_ =	shalt  }
0x58: {  	_ =	shalt  }
0x59: {  	_ =	shalt  }
0x5a: {  	_ =	shalt  }
0x5b: {  	_ =	shalt  }
0x5c: {  	_ =	shalt  }
0x5d: {  	_ =	shalt  }
0x5e: {  	_ =	shalt  }
0x5f: {  	_ =	shalt  }
0x60: {  	_ =	shalt  }
0x61: {  	_ =	shalt  }
0x62: {  	_ =	shalt  }
0x63: {  	_ =	shalt  }
0x64: {  	_ =	shalt  }
0x65: {  	_ =	shalt  }
0x66: {  	_ =	shalt  }
0x67: {  	_ =	shalt  }
0x68: {  	_ =	shalt  }
0x69: {  	_ =	shalt  }
0x6a: {  	_ =	shalt  }
0x6b: {  	_ =	shalt  }
0x6c: {  	_ =	shalt  }
0x6d: {  	_ =	shalt  }
0x6e: {  	_ =	shalt  }
0x6f: {  	_ =	shalt  }
0x70: {  	_ =	shalt  }
0x71: {  	_ =	shalt  }
0x72: {  	_ =	shalt  }
0x73: {  	_ =	shalt  }
0x74: {  	_ =	shalt  }
0x75: {  	_ =	shalt  }
0x76: {  	_ =	shalt  }
0x77: {  	_ =	shalt  }
0x78: {  	_ =	shalt  }
0x79: {  	_ =	shalt  }
0x7a: {  	_ =	shalt  }
0x7b: {  	_ =	shalt  }
0x7c: {  	_ =	shalt  }
0x7d: {  	_ =	shalt  }
0x7e: {  	_ =	shalt  }
0x7f: {  	_ =	shalt  }
0x80: {  	_ =	shalt  }
0x81: {  	_ =	shalt  }
0x82: {  	_ =	shalt  }
0x83: {  	_ =	shalt  }
0x84: {  	_ =	shalt  }
0x85: {  	_ =	shalt  }
0x86: {  	_ =	shalt  }
0x87: {  	_ =	shalt  }
.Lfunc_end0:
.L_simem_size_0:
called_computation_lowered:
.L_overlay_start_0:
0x88: {  	s2 =	sld [smem:$0x3FD9]  }
0x89: {  	s3 =	sld [smem:$0x3FFE];
	_ =	sdelay $0x1  }
0x8a: {  	s1 =	srdreg.scid  }
0x8b: {  	s0 =	sand.u32 $0x1, s1  }
0x8c: {  	s17 =	sshll.u32 s0, $0xA;
	s2 =	sadd.s32 s3, s2  }
0x8d: {  	s2 =	sadd.s32 s2, s17  }
0x8e: {  	[smem:$0x3FC3] =	sst s2  }
0x8f: {  	_ = 	snop  }
0x90: {  	s2 =	sld [smem:$0x3FC8]  }
0x91: {  	s18 =	sld [smem:$0x3FD0];
	(tm) =	ssettm $0x1  }
0x92: {  	s4 =	sld [smem:$0x3FFB];
	_ =	sdelay $0x3  }
0x93: {  	_ =	strace s4  }
0x94: {  	s4 =	sld [smem:$0x3FFC];
	_ =	sdelay $0x3  }
0x95: {  	_ =	strace s4  }
0x96: {  	s4 =	sld [smem:$0x3FFD];
	_ =	sdelay $0x3  }
0x97: {  	_ =	strace s4  }
0x98: {  	_ =	strace $0x8FFFFFFF  }
0x99: {  	s19 =	sld [smem:$0x3FDB];
	_ =	sdelay $0x1  }
0x9a: {  	s5 =	simm.s32 $_scs_section_size  }
0x9b: {  	s6 =	simm.s32 $_size__tile_overlayer_lowered;
	s7 =	simm.s32 $_tile_overlayer_lowered  }
0x9c: {  	s22 =	simm.s32 $0x1BFF;
	s21 =	sshll.u32 s7, $0x1;
	s4 =	sadd.s32 s5, s19  }
0x9d: {  	s8 =	simm.s32 $0x0;
	s20 =	sshll.u32 s6, $0x1;
	s6 =	sadd.s32 s21, s4  }
0x9e: {  	[timem:s8], [sflag:s22] =	dma.local [hbm:s6], s20  }
0x9f: {  	_ =	swait.ge [sflag:s22], s20  }
0xa0: {  	s5 =	ssub.s32 $0x0, s20;
	[sflag:s22] =	ssyncset.done $0x0  }
0xa1: {  	[sflag:s22] =	ssyncadd.s32 s5;
	_ =	sdelay $0x1  }
0xa2: {  	s23 =	simm.s32 $0x1B8B  }
0xa3: {  	_ =	swait.ge [sflag:s23], $0x1  }
0xa4: {  	[sflag:s23] =	ssyncset.done $0x0  }
0xa5: {  	s25 =	simm.s32 $0x1B8E;
	s24 =	sld [smem:$0x3FFE];
	[sflag:s23] =	ssyncadd.s32 $0xFFFFFFFF  }
0xa6: {  	s26 =	simm.s32 $execute0_lowered;
	[smem:$0x3FD2] =	sst s25  }
0xa7: {  	s6 =	sshll.u32 s26, $0x1;
	_ =	strace $0x80000046;
	[dreg:$0x1] =	wrdreg $0xFFFFFFFF  }
0xa8: {  	s28 =	simm.s32 $_size_execute0_lowered;
	s4 =	sadd.s32 s4, s6;
	[dreg:$0x0] =	wrdreg $0x0  }
0xa9: {  	s6 =	sshll.u32 s28, $0x1;
	[dreg:$0x2] =	wrdreg s4  }
0xaa: {  	[dreg:$0x3] =	wrdreg s6  }
0xab: {  	[dreg:$0x4] =	wrdreg $0xC0  }
0xac: {  	_ =	task [dreg:s8], $0x5FFFF  }
0xad: {  	[dreg:$0x1] =	wrdreg $0xFFFFFFFF  }
0xae: {  	[dreg:$0x0] =	wrdreg $0x60  }
0xaf: {  	[dreg:$0x2] =	wrdreg s18  }
0xb0: {  	[dreg:$0x3] =	wrdreg s2  }
0xb1: {  	[dreg:$0x4] =	wrdreg s24  }
0xb2: {  	[dreg:$0x5] =	wrdreg $0xB0000  }
0xb3: {  	[dreg:$0x6] =	wrdreg $0x9  }
0xb4: {  	_ =	task.clear_ibuf [dreg:s8], $0x7FFFF;
	_ =	strace $0x90000046  }
0xb5: {  	s29 =	simm.s32 $0x9;
	_ =	strace $0x80000048  }
0xb6: {  	_ =	swait.ge [sflag:s29], $0x1  }
0xb7: {  	[sflag:s29] =	ssyncadd.s32 $0xFFFFFFFF  }
0xb8: {  	_ =	strace $0x90000048  }
0xb9: {  	_ =	sfence  }
0xba: {  	s30 =	sld [smem:$0x0];
	_ =	sdelay $0x2  }
0xbb: {  	s31 =	sshll.u32 s1, $0xD;
	s1 =	sshrl.u32 s1, $0x2  }
0xbc: {  	s3 =	sand.u32 $0x4000, s31;
	s1 =	sadd.s32 s1, s30  }
0xbd: {  	s0 =	sor.u32 s3, s0;
	s1 =	sshll.u32 s1, $0x11  }
0xbe: {  	s0 =	sor.u32 s1, s0  }
0xbf: {  	s0 =	sadd.s32 $0x8F2B, s0  }
0xc0: {  	[sflag:s0] =	ssyncadd.remote.s32 $0x1  }
0xc1: {  	_ =	sfence.sel $0xFFFF  }
0xc2: {  	[dreg:$0x0] =	wrdreg $0xFFFFFFFF;
	(pc) =	sbr.abs _section_cstart, $3  }
0xc3: {  	[dreg:$0x1] =	wrdreg $0xFFFFFFFF  }
0xc4: {  	_ =	task.clear_ibuf [dreg:s8], $0x2FFFF;
	_ =	strace $0x9FFFFFFF  }
0xc5: {  	(tm) =	ssettm $0x7FFFFFFF  }
tec
execute0_lowered:
.L_overlay_start_1:
0x0: {  	(tag) =	ssettag $0x1  }
0x1: {  	s1 =	rddreg [dreg:$0x0]  }
0x2: {  	s0 =	rddreg [dreg:$0x1]  }
0x3: {  	s5 =	rddreg [dreg:$0x2]  }
0x4: {  	s2 =	rddreg [dreg:$0x3];
	s3 =	srdreg.scid;
	s4 =	simm.s32 $0x0  }
0x5: {  	s21 =	simm.s32 $0x3000;
	s22 =	simm.s32 $0x3;
	s28 =	simm.s32 $0x7000  }
0x6: {  	s29 =	simm.s32 $0x1;
	s12 =	sand.u32 $0x1, s3;
	s3 =	stileid.u32  }
0x7: {  	s30 =	simm.s32 $0x2;
	[smem:$0x7FF] =	sst s4;
	s6 =	smul.u32 $0x27100, s12  }
0x8: {  	s7 =	smul.u32 $0x4E000, s3;
	_ =	strace $0x80000047;
	s23 =	ssub.s32 $0x2, s12  }
0x9: {  	s8 =	sshll.u32 s12, $0x4;
	s14 =	sshll.u32 s12, $0x6;
	s15 =	sshll.u32 s3, $0x5  }
0xa: {  	s12 =	sadd.s32 $0x138000, s2;
	s31 =	smul.u32 $0x2700, s3;
	p0 =	sne.s32 s3, $0xF  }
0xb: {  	p1 =	sgt.u32 s3, $0x1;
	s24 =	sshrl.u32 s23, $0x1;
	s11 =	sor.u32 s3, s8  }
0xc: {  	s15 =	sadd.s32 s15, s14;
	s19 =	sadd.s32 s6, s5;
	s13 =	smul.u32 $0x4E00, s11  }
0xd: {  	s7 =	sshrl.u32 s7, $0x2;
	s20 =	ssub.s32 s23, s24;
	s11 =	smul.u32 $0x9C0, s11  }
0xe: {  	s15 =	sor.u32 $0x13800, s15;
	s23 =	simm.s32 $0x80;
	s24 =	simm.s32 $0x100  }
0xf: {  	s5 =	sadd.s32 s7, s2;
	s18 =	sadd.s32 s0, s15;
	s19 =	sadd.s32 $0xE00, s19  }
0x10: {  	s20 =	smax.u32 s20, $0x1;
	s25 =	sadd.s32 $0x3C00, s5;
	s26 =	sadd.s32 $0x7800, s5  }
0x11: {  	s8 =	sadd.s32 $0xB400, s5;
	s9 =	sadd.s32 $0xF000, s5;
	s10 =	sadd.s32 $0x12C00, s5  }
0x12: {  	s16 =	sshrl.u32 s13, $0x3;
	s13 =	sadd.s32 s0, s11;
	[dreg:$0x5] =	wrdreg s25  }
0x13: {  	[dreg:$0x6] =	wrdreg s26;
	s14 =	sadd.s32 $0x600, s16;
	s16 =	sadd.s32 $0x10, s0  }
0x14: {  	v0 =	vimm.f32 $0.0e+00;
	s25 =	sadd.s32 s31, s19;
	s26 =	simm.s32 $0x1800;
	s17 =	sadd.s32 s0, s14  }
.LBB2_1:
0x15: {  	s31 =	simm.s32 $0x70;
	s0 =	simm.s32 $0x3C0  }
.LBB2_2:
0x16: {  	p2 =	sne.s32 s0, $0xEFC0;
	[tilespmem:s31+$0x3000] =	vst v0  }
0x17: {  	[tilespmem:s31+$0x2F90] =	vst v0  }
0x18: {  	[tilespmem:s31+$0x2FA0] =	vst v0  }
.Ltmp0:
0x19: {  	[tilespmem:s31+$0x2FB0] =	vst v0;
	(pc) =	sbr.rel @p2 .LBB2_2-.Ltmp0, $4  }
0x1a: {  	[tilespmem:s31+$0x2FC0] =	vst v0  }
0x1b: {  	[tilespmem:s31+$0x2FD0] =	vst v0  }
0x1c: {  	[tilespmem:s31+$0x2FE0] =	vst v0  }
0x1d: {  	[tilespmem:s31+$0x2FF0] =	vst v0;
	s31 =	sshra.s32 s0, $0x2;
	s0 =	sadd.s32 $0x200, s0  }
0x1e: {  	[tilespmem:s31+$0x3000] =	vst v0  }
0x1f: {  	[tilespmem:s31+$0x2F90] =	vst v0  }
0x20: {  	[tilespmem:s31+$0x2FA0] =	vst v0  }
0x21: {  	[tilespmem:s31+$0x2FB0] =	vst v0  }
0x22: {  	[tilespmem:s31+$0x2FC0] =	vst v0  }
0x23: {  	[tilespmem:s31+$0x2FD0] =	vst v0  }
0x24: {  	[tilespmem:s31+$0x2FE0] =	vst v0  }
0x25: {  	[tilespmem:s31+$0x2FF0] =	vst v0  }
0x26: {  	[spmem:s5] =	stream.linear.scatter [tilespmem:s21], [sflag:$0x3], $0x3C00, $0x38;
	[tilespmem:$0x1E880] =	vst v63  }
0x27: {  	_ =	swait.ge [sflag:s22], $0x3C00  }
0x28: {  	[sflag:s22] =	ssyncset.done $0x0  }
0x29: {  	s0 =	rddreg [dreg:$0x5];
	[sflag:s22] =	ssyncadd.s32 $0xFFFFC400  }
0x2a: {  	[spmem:s0] =	stream.linear.scatter [tilespmem:s21], [sflag:$0x3], $0x3C00, $0x38;
	[tilespmem:$0x1E880] =	vst v63  }
0x2b: {  	_ =	swait.ge [sflag:s22], $0x3C00  }
0x2c: {  	[sflag:s22] =	ssyncset.done $0x0  }
0x2d: {  	s6 =	rddreg [dreg:$0x6];
	[sflag:s22] =	ssyncadd.s32 $0xFFFFC400  }
0x2e: {  	[spmem:s6] =	stream.linear.scatter [tilespmem:s21], [sflag:$0x3], $0x3C00, $0x38;
	[tilespmem:$0x1E880] =	vst v63  }
0x2f: {  	_ =	swait.ge [sflag:s22], $0x3C00  }
0x30: {  	[sflag:s22] =	ssyncset.done $0x0  }
0x31: {  	[sflag:s22] =	ssyncadd.s32 $0xFFFFC400  }
0x32: {  	[spmem:s8] =	stream.linear.scatter [tilespmem:s21], [sflag:$0x3], $0x3C00, $0x38;
	[tilespmem:$0x1E880] =	vst v63  }
0x33: {  	_ =	swait.ge [sflag:s22], $0x3C00  }
0x34: {  	[sflag:s22] =	ssyncset.done $0x0  }
0x35: {  	[sflag:s22] =	ssyncadd.s32 $0xFFFFC400  }
0x36: {  	[spmem:s9] =	stream.linear.scatter [tilespmem:s21], [sflag:$0x3], $0x3C00, $0x38;
	[tilespmem:$0x1E880] =	vst v63  }
0x37: {  	_ =	swait.ge [sflag:s22], $0x3C00  }
0x38: {  	[sflag:s22] =	ssyncset.done $0x0  }
0x39: {  	[sflag:s22] =	ssyncadd.s32 $0xFFFFC400  }
0x3a: {  	[spmem:s10] =	stream.linear.scatter [tilespmem:s21], [sflag:$0x3], $0xC00, $0x38;
	[tilespmem:$0x1E880] =	vst v63  }
0x3b: {  	_ =	swait.ge [sflag:s22], $0xC00  }
0x3c: {  	[sflag:s22] =	ssyncset.done $0x0  }
0x3d: {  	s0 =	simm.s32 @!p0 $0x3000;
	[sflag:s22] =	ssyncadd.s32 $0xFFFFF400  }
0x3e: {  	[spmem:s12] =	stream.linear.scatter @!p0 [tilespmem:s0], [sflag:$0x3], $0x800, $0x38;
	[tilespmem:$0x1E880] =	vst v63  }
0x3f: {  	s0 =	simm.s32 @!p0 $0x3  }
0x40: {  	_ =	swait.ge @!p0 [sflag:s0], $0x800  }
0x41: {  	[sflag:s0] =	ssyncset.done @!p0 $0x0  }
0x42: {  	[sflag:s0] =	ssyncadd.s32 @!p0 $0xFFFFF800  }
0x43: {  	s7 =	simm.s32 $0x0;
	[bflag:$0x0] =	sbarrier.arrive $0xFFFF  }
0x44: {  	[tilespmem:s7], [sflag:$0x3] =	stream.strided.gather [hbm4b:s13+s23], $0x1800, s24, s23, $0x38;
	[tilespmem:$0x1E880] =	vst v63  }
0x45: {  	_ =	swait.ge [sflag:s22], $0x1800  }
0x46: {  	[sflag:s22] =	ssyncset.done $0x0  }
0x47: {  	s31 =	sadd.s32 s11, s16;
	[sflag:s22] =	ssyncadd.s32 $0xFFFFE800  }
0x48: {  	[tilespmem:s26], [sflag:$0x3] =	stream.strided.gather [hbm4b:s31+s23], $0x1800, s24, s23, $0x38;
	[tilespmem:$0x1E880] =	vst v63  }
0x49: {  	_ =	swait.ge [sflag:s22], $0x1800  }
0x4a: {  	[sflag:s22] =	ssyncset.done $0x0  }
0x4b: {  	[sflag:s22] =	ssyncadd.s32 $0xFFFFE800  }
0x4c: {  	[tilespmem:s21], [sflag:$0x1] =	stream.indirect.gather [hbm4b:s1+s23], $0x80, s7, s23, $0xb8;
	[tilespmem:$0x1E880] =	vst v63  }
0x4d: {  	_ = 	snop  }
0x4e: {  	[tilespmem:s28], [sflag:$0x2] =	stream.indirect.gather [hbm4b:s1+s23], $0x80, s23, s23, $0xb8;
	[tilespmem:$0x1E880] =	vst v63  }
0x4f: {  	_ =	swait.ge [sflag:s29], $0x4000  }
0x50: {  	[sflag:s29] =	ssyncset.done $0x0  }
0x51: {  	s3 =	simm.s32 $0x1800;
	[sflag:s29] =	ssyncadd.s32 $0xFFFFC000  }
0x52: {  	[spmem:s2] =	stream.indirect.scatter.add.f32 [tilespmem:s21], [sflag:$0x3], $0x80, s3, s23, $0xb8;
	[tilespmem:$0x1E880] =	vst v63  }
0x53: {  	_ =	swait.ge [sflag:s22], $0x4000  }
0x54: {  	[sflag:s22] =	ssyncset.done $0x0  }
0x55: {  	s6 =	simm.s32 $0x100;
	[sflag:s22] =	ssyncadd.s32 $0xFFFFC000  }
0x56: {  	[tilespmem:s21], [sflag:$0x1] =	stream.indirect.gather [hbm4b:s1+s23], $0x80, s6, s23, $0xb8;
	[tilespmem:$0x1E880] =	vst v63  }
0x57: {  	_ =	swait.ge [sflag:s30], $0x4000  }
0x58: {  	[sflag:s30] =	ssyncset.done $0x0  }
0x59: {  	s7 =	simm.s32 $0x1880;
	[sflag:s30] =	ssyncadd.s32 $0xFFFFC000  }
0x5a: {  	[spmem:s2] =	stream.indirect.scatter.add.f32 [tilespmem:s28], [sflag:$0x3], $0x80, s7, s23, $0xb8;
	[tilespmem:$0x1E880] =	vst v63  }
0x5b: {  	_ =	swait.ge [sflag:s22], $0x4000  }
0x5c: {  	[sflag:s22] =	ssyncset.done $0x0  }
0x5d: {  	s0 =	simm.s32 $0x180;
	s31 =	simm.s32 $0x400;
	[sflag:s22] =	ssyncadd.s32 $0xFFFFC000  }
.LBB2_4:
0x5e: {  	[tilespmem:s28], [sflag:$0x2] =	stream.indirect.gather [hbm4b:s1+s23], $0x80, s0, s23, $0xb8;
	[tilespmem:$0x1E880] =	vst v63  }
0x5f: {  	s0 =	smov.u32 s31  }
0x60: {  	p2 =	sne.s32 s31, $0x5800;
	s31 =	sadd.s32 $0x400, s31;
	_ =	swait.ge [sflag:s29], $0x4000  }
0x61: {  	s0 =	sshra.s32 s0, $0x2;
	[sflag:s29] =	ssyncset.done $0x0  }
0x62: {  	s3 =	sadd.s32 $0x1800, s0;
	[sflag:s29] =	ssyncadd.s32 $0xFFFFC000  }
0x63: {  	[spmem:s2] =	stream.indirect.scatter.add.f32 [tilespmem:s21], [sflag:$0x3], $0x80, s3, s23, $0xb8;
	[tilespmem:$0x1E880] =	vst v63  }
0x64: {  	_ =	swait.ge [sflag:s22], $0x4000  }
0x65: {  	[sflag:s22] =	ssyncset.done $0x0  }
0x66: {  	s3 =	sadd.s32 $0x100, s0;
	[sflag:s22] =	ssyncadd.s32 $0xFFFFC000  }
0x67: {  	[tilespmem:s21], [sflag:$0x1] =	stream.indirect.gather [hbm4b:s1+s23], $0x80, s3, s23, $0xb8;
	[tilespmem:$0x1E880] =	vst v63  }
0x68: {  	_ =	swait.ge [sflag:s30], $0x4000  }
0x69: {  	[sflag:s30] =	ssyncset.done $0x0  }
.Ltmp1:
0x6a: {  	s3 =	sadd.s32 $0x1880, s0;
	[sflag:s30] =	ssyncadd.s32 $0xFFFFC000;
	(pc) =	sbr.rel @p2 .LBB2_4-.Ltmp1, $4  }
0x6b: {  	[spmem:s2] =	stream.indirect.scatter.add.f32 [tilespmem:s28], [sflag:$0x3], $0x80, s3, s23, $0xb8;
	[tilespmem:$0x1E880] =	vst v63  }
0x6c: {  	_ =	swait.ge [sflag:s22], $0x4000  }
0x6d: {  	[sflag:s22] =	ssyncset.done $0x0  }
0x6e: {  	s0 =	sadd.s32 $0x180, s0;
	[sflag:s22] =	ssyncadd.s32 $0xFFFFC000  }
0x6f: {  	[tilespmem:s28], [sflag:$0x2] =	stream.indirect.gather [hbm4b:s1+s23], $0x80, s0, s23, $0xb8;
	[tilespmem:$0x1E880] =	vst v63  }
0x70: {  	_ =	swait.ge [sflag:s29], $0x4000  }
0x71: {  	[sflag:s29] =	ssyncset.done $0x0  }
0x72: {  	s3 =	simm.s32 $0x2F00;
	[sflag:s29] =	ssyncadd.s32 $0xFFFFC000  }
0x73: {  	[spmem:s2] =	stream.indirect.scatter.add.f32 [tilespmem:s21], [sflag:$0x3], $0x80, s3, s23, $0xb8;
	[tilespmem:$0x1E880] =	vst v63  }
0x74: {  	_ =	swait.ge [sflag:s22], $0x4000  }
0x75: {  	[sflag:s22] =	ssyncset.done $0x0  }
0x76: {  	[sflag:s22] =	ssyncadd.s32 $0xFFFFC000  }
0x77: {  	_ =	swait.ge [sflag:s30], $0x4000  }
0x78: {  	[sflag:s30] =	ssyncset.done $0x0  }
0x79: {  	s6 =	simm.s32 $0x2F80;
	[sflag:s30] =	ssyncadd.s32 $0xFFFFC000  }
0x7a: {  	[spmem:s2] =	stream.indirect.scatter.add.f32 [tilespmem:s28], [sflag:$0x3], $0x80, s6, s23, $0xb8;
	[tilespmem:$0x1E880] =	vst v63  }
0x7b: {  	_ =	swait.ge [sflag:s22], $0x4000  }
0x7c: {  	[sflag:s22] =	ssyncset.done $0x0  }
0x7d: {  	s7 =	simm.s32 $0x0;
	[sflag:s22] =	ssyncadd.s32 $0xFFFFC000  }
0x7e: {  	[tilespmem:s7], [sflag:$0x3] =	stream.strided.gather [hbm4b:s17+s23], $0xF00, s24, s23, $0x38;
	[tilespmem:$0x1E880] =	vst v63  }
0x7f: {  	_ =	swait.ge [sflag:s22], $0xF00  }
0x80: {  	[sflag:s22] =	ssyncset.done $0x0  }
0x81: {  	s3 =	sadd.s32 s14, s16;
	[sflag:s22] =	ssyncadd.s32 $0xFFFFF100  }
0x82: {  	[tilespmem:s26], [sflag:$0x3] =	stream.strided.gather [hbm4b:s3+s23], $0xF00, s24, s23, $0x38;
	[tilespmem:$0x1E880] =	vst v63  }
0x83: {  	_ =	swait.ge [sflag:s22], $0xF00  }
0x84: {  	[sflag:s22] =	ssyncset.done $0x0  }
0x85: {  	[sflag:s22] =	ssyncadd.s32 $0xFFFFF100  }
0x86: {  	[tilespmem:s21], [sflag:$0x1] =	stream.indirect.gather [hbm4b:s1+s23], $0x80, s7, s23, $0xb8;
	[tilespmem:$0x1E880] =	vst v63  }
0x87: {  	_ = 	snop  }
0x88: {  	[tilespmem:s28], [sflag:$0x2] =	stream.indirect.gather [hbm4b:s1+s23], $0x80, s23, s23, $0xb8;
	[tilespmem:$0x1E880] =	vst v63  }
0x89: {  	_ =	swait.ge [sflag:s29], $0x4000  }
0x8a: {  	[sflag:s29] =	ssyncset.done $0x0  }
0x8b: {  	s3 =	simm.s32 $0x1800;
	[sflag:s29] =	ssyncadd.s32 $0xFFFFC000  }
0x8c: {  	[spmem:s2] =	stream.indirect.scatter.add.f32 [tilespmem:s21], [sflag:$0x3], $0x80, s3, s23, $0xb8;
	[tilespmem:$0x1E880] =	vst v63  }
0x8d: {  	_ =	swait.ge [sflag:s22], $0x4000  }
0x8e: {  	[sflag:s22] =	ssyncset.done $0x0  }
0x8f: {  	s6 =	simm.s32 $0x100;
	[sflag:s22] =	ssyncadd.s32 $0xFFFFC000  }
0x90: {  	[tilespmem:s21], [sflag:$0x1] =	stream.indirect.gather [hbm4b:s1+s23], $0x80, s6, s23, $0xb8;
	[tilespmem:$0x1E880] =	vst v63  }
0x91: {  	_ =	swait.ge [sflag:s30], $0x4000  }
0x92: {  	[sflag:s30] =	ssyncset.done $0x0  }
0x93: {  	s7 =	simm.s32 $0x1880;
	[sflag:s30] =	ssyncadd.s32 $0xFFFFC000  }
0x94: {  	[spmem:s2] =	stream.indirect.scatter.add.f32 [tilespmem:s28], [sflag:$0x3], $0x80, s7, s23, $0xb8;
	[tilespmem:$0x1E880] =	vst v63  }
0x95: {  	_ =	swait.ge [sflag:s22], $0x4000  }
0x96: {  	[sflag:s22] =	ssyncset.done $0x0  }
0x97: {  	s31 =	simm.s32 $0x400;
	s0 =	simm.s32 $0x180;
	[sflag:s22] =	ssyncadd.s32 $0xFFFFC000  }
.LBB2_6:
0x98: {  	[tilespmem:s28], [sflag:$0x2] =	stream.indirect.gather [hbm4b:s1+s23], $0x80, s0, s23, $0xb8;
	[tilespmem:$0x1E880] =	vst v63  }
0x99: {  	s0 =	smov.u32 s31  }
0x9a: {  	p2 =	sne.s32 s31, $0x3400;
	s31 =	sadd.s32 $0x400, s31;
	_ =	swait.ge [sflag:s29], $0x4000  }
0x9b: {  	s0 =	sshra.s32 s0, $0x2;
	[sflag:s29] =	ssyncset.done $0x0  }
0x9c: {  	s3 =	sadd.s32 $0x1800, s0;
	[sflag:s29] =	ssyncadd.s32 $0xFFFFC000  }
0x9d: {  	[spmem:s2] =	stream.indirect.scatter.add.f32 [tilespmem:s21], [sflag:$0x3], $0x80, s3, s23, $0xb8;
	[tilespmem:$0x1E880] =	vst v63  }
0x9e: {  	_ =	swait.ge [sflag:s22], $0x4000  }
0x9f: {  	[sflag:s22] =	ssyncset.done $0x0  }
0xa0: {  	s3 =	sadd.s32 $0x100, s0;
	[sflag:s22] =	ssyncadd.s32 $0xFFFFC000  }
0xa1: {  	[tilespmem:s21], [sflag:$0x1] =	stream.indirect.gather [hbm4b:s1+s23], $0x80, s3, s23, $0xb8;
	[tilespmem:$0x1E880] =	vst v63  }
0xa2: {  	_ =	swait.ge [sflag:s30], $0x4000  }
0xa3: {  	[sflag:s30] =	ssyncset.done $0x0  }
.Ltmp2:
0xa4: {  	s3 =	sadd.s32 $0x1880, s0;
	[sflag:s30] =	ssyncadd.s32 $0xFFFFC000;
	(pc) =	sbr.rel @p2 .LBB2_6-.Ltmp2, $4  }
0xa5: {  	[spmem:s2] =	stream.indirect.scatter.add.f32 [tilespmem:s28], [sflag:$0x3], $0x80, s3, s23, $0xb8;
	[tilespmem:$0x1E880] =	vst v63  }
0xa6: {  	_ =	swait.ge [sflag:s22], $0x4000  }
0xa7: {  	[sflag:s22] =	ssyncset.done $0x0  }
0xa8: {  	s0 =	sadd.s32 $0x180, s0;
	[sflag:s22] =	ssyncadd.s32 $0xFFFFC000  }
0xa9: {  	[tilespmem:s28], [sflag:$0x2] =	stream.indirect.gather [hbm4b:s1+s23], $0x80, s0, s23, $0xb8;
	[tilespmem:$0x1E880] =	vst v63  }
0xaa: {  	_ =	swait.ge [sflag:s29], $0x4000  }
0xab: {  	[sflag:s29] =	ssyncset.done $0x0  }
0xac: {  	s3 =	simm.s32 $0x2600;
	[sflag:s29] =	ssyncadd.s32 $0xFFFFC000  }
0xad: {  	[spmem:s2] =	stream.indirect.scatter.add.f32 [tilespmem:s21], [sflag:$0x3], $0x80, s3, s23, $0xb8;
	[tilespmem:$0x1E880] =	vst v63  }
0xae: {  	_ =	swait.ge [sflag:s22], $0x4000  }
0xaf: {  	[sflag:s22] =	ssyncset.done $0x0  }
0xb0: {  	[sflag:s22] =	ssyncadd.s32 $0xFFFFC000  }
0xb1: {  	_ =	swait.ge [sflag:s30], $0x4000  }
0xb2: {  	[sflag:s30] =	ssyncset.done $0x0  }
0xb3: {  	s6 =	simm.s32 $0x2680;
	[sflag:s30] =	ssyncadd.s32 $0xFFFFC000  }
0xb4: {  	[spmem:s2] =	stream.indirect.scatter.add.f32 [tilespmem:s28], [sflag:$0x3], $0x80, s6, s23, $0xb8;
	[tilespmem:$0x1E880] =	vst v63  }
0xb5: {  	_ =	swait.ge [sflag:s22], $0x4000  }
0xb6: {  	[sflag:s22] =	ssyncset.done $0x0  }
0xb7: {  	s0 =	simm.s32 @!p1 $0x0;
	s3 =	simm.s32 @!p1 $0x3;
	[sflag:s22] =	ssyncadd.s32 $0xFFFFC000  }
0xb8: {  	[tilespmem:s0], [sflag:$0x3] =	stream.linear.gather @!p1 [hbm4b:s18+s0], $0x80, $0x38;
	[tilespmem:$0x1E880] =	vst v63  }
0xb9: {  	_ =	swait.ge @!p1 [sflag:s3], $0x80  }
0xba: {  	[sflag:s3] =	ssyncset.done @!p1 $0x0  }
0xbb: {  	s31 =	sadd.s32 @!p1 s15, s16;
	s6 =	simm.s32 @!p1 $0x1800;
	[sflag:s3] =	ssyncadd.s32 @!p1 $0xFFFFFF80  }
0xbc: {  	[tilespmem:s6], [sflag:$0x3] =	stream.linear.gather @!p1 [hbm4b:s31+s0], $0x80, $0x38;
	[tilespmem:$0x1E880] =	vst v63  }
0xbd: {  	_ =	swait.ge @!p1 [sflag:s3], $0x80  }
0xbe: {  	[sflag:s3] =	ssyncset.done @!p1 $0x0  }
0xbf: {  	s7 =	simm.s32 @!p1 $0x3000;
	s31 =	simm.s32 @!p1 $0x80;
	[sflag:s3] =	ssyncadd.s32 @!p1 $0xFFFFFF80  }
0xc0: {  	[tilespmem:s7], [sflag:$0x1] =	stream.indirect.gather @!p1 [hbm4b:s1+s31], $0x80, s0, s31, $0xb8;
	[tilespmem:$0x1E880] =	vst v63  }
0xc1: {  	s0 =	simm.s32 @!p1 $0x1  }
0xc2: {  	_ =	swait.ge @!p1 [sflag:s0], $0x4000  }
0xc3: {  	[sflag:s0] =	ssyncset.done @!p1 $0x0  }
0xc4: {  	[sflag:s0] =	ssyncadd.s32 @!p1 $0xFFFFC000  }
0xc5: {  	[spmem:s2] =	stream.indirect.scatter.add.f32 @!p1 [tilespmem:s7], [sflag:$0x3], $0x80, s6, s31, $0xb8;
	[tilespmem:$0x1E880] =	vst v63  }
0xc6: {  	_ =	swait.ge @!p1 [sflag:s3], $0x4000  }
0xc7: {  	s7 =	stileid.u32;
	[sflag:s3] =	ssyncset.done @!p1 $0x0  }
0xc8: {  	s0 =	sshll.u32 s7, $0x6;
	[sflag:s3] =	ssyncadd.s32 @!p1 $0xFFFFC000  }
0xc9: {  	s31 =	sshrl.u32 s5, $0x3;
	s0 =	sor.u32 $0x1C03, s0;
	[bflag:$0x0] =	sbarrier.arrive $0xFFFF  }
0xca: {  	[hbm:s25], [sflag:s0] =	dma.local [spmem:s31], $0x2700  }
0xcb: {  	s4 =	sadd.s32 $0x1, s4;
	_ =	swait.ge [sflag:s22], $0x2700  }
0xcc: {  	p2 =	sne.s32 s4, s20;
	[sflag:s22] =	ssyncset.done $0x0  }
0xcd: {  	s6 =	sshrl.u32 @!p0 s12, $0x3;
	s3 =	sadd.s32 @!p0 $0x27000, s19;
	[sflag:s22] =	ssyncadd.s32 $0xFFFFD900  }
0xce: {  	[hbm:s3], [sflag:s0] =	dma.local @!p0 [spmem:s6], $0x100  }
.Ltmp3:
0xcf: {  	_ = 	snop;
	(pc) =	sbr.rel @p2 .LBB2_1-.Ltmp3, $4  }
0xd0: {  	s0 =	simm.s32 @!p0 $0x3  }
0xd1: {  	_ =	swait.ge @!p0 [sflag:s0], $0x100  }
0xd2: {  	[sflag:s0] =	ssyncset.done @!p0 $0x0  }
0xd3: {  	[sflag:s0] =	ssyncadd.s32 @!p0 $0xFFFFFF00  }
0xd4: {  	_ =	sfence.sel $0x180000  }
0xd5: {  	[bflag:$0x0] =	sbarrier.arrive $0xFFFF  }
0xd6: {  	_ =	strace $0x90000047  }
0xd7: {  	s0 =	stileid.u32;
	[bflag:$0x2] =	sbarrier.arrive $0xFFFF  }
0xd8: {  	p0 =	sne.s32 s0, $0x0;
	s0 =	rddreg [dreg:$0x4]  }
0xd9: {  	s0 =	sadd.s32 @!p0 $0x100000, s0  }
0xda: {  	[sflag:s0] =	ssyncadd.tile.s32 @!p0 $0x1;
	_ =	shalt  }
.Lfunc_end2:
_tile_overlayer_lowered:
.L_overlay_start_2:
0xdb: {  	(tag) =	ssettag $0x2  }
0xdc: {  	s0 =	rddreg [dreg:$0x0];
	s2 =	stileid.u32  }
0xdd: {  	s1 =	rddreg [dreg:$0x1];
	p0 =	sne.s32 s2, $0x0  }
0xde: {  	s3 =	rddreg [dreg:$0x2];
	[bflag:$0x3] =	sbarrier.arrive $0xFFFF;
	s2 =	simm.s32 @!p0 $0x1C03  }
0xdf: {  	[timem:s3], [sflag:s2] =	dma.local @!p0 [hbm:s0], s1  }
0xe0: {  	s0 =	simm.s32 @!p0 $0x3  }
0xe1: {  	_ =	swait.ge @!p0 [sflag:s0], s1  }
0xe2: {  	s1 =	ssub.s32 @!p0 $0x0, s1;
	[sflag:s0] =	ssyncset.done @!p0 $0x0  }
0xe3: {  	[sflag:s0] =	ssyncadd.s32 @!p0 s1  }
0xe4: {  	[bflag:$0x3] =	sbarrier.arrive $0xFFFF  }
0xe5: {  	_ =	shalt  }

</sc_bundles>
